<compile_context>
chip_gen: v7x
topology: tpu7x:2x2x1
jax: 0.10.2.dev20260603
libtpu: 0.0.44.dev20260713+nightly
codegen_flags: <defaults>
</compile_context>

<pallas_src>
import functools

import jax
import jax.numpy as jnp
from jax import lax
from jax.experimental import pallas as pl
from jax.experimental.pallas import tpu as pltpu
from jax.experimental.pallas import tpu_sc as plsc

_BATCH = 1024
_T = 50
_TA = 48
_TT = _T - _TA
_V = 1000
_D = 1000
_DP = 1024
_DA = 896
_NC = 2
_NS = 16
_NW = _NC * _NS
_BPW = _BATCH // _NW
_CH = 24
_NCH = _BPW * 2
_TROWS = _BPW * _TT
_TCH = 8
_NTCH = _TROWS // _TCH

_mesh = plsc.VectorSubcoreMesh(core_axis_name="c", subcore_axis_name="s")


@functools.partial(
    pl.kernel,
    out_type=(
        jax.ShapeDtypeStruct((_BATCH, _T, _D), jnp.float32),
        jax.ShapeDtypeStruct((_BATCH, _TA, _DP - _DA), jnp.float32),
        jax.ShapeDtypeStruct((_BATCH * _TT, _DP), jnp.float32),
    ),
    mesh=_mesh,
    scratch_types=[
        pltpu.VMEM((_BATCH * _TA // _NW,), jnp.int32),
        pltpu.VMEM((_TROWS,), jnp.int32),
        pltpu.VMEM((_CH, _DP), jnp.float32),
        pltpu.VMEM((_CH, _DP), jnp.float32),
        pltpu.VMEM((_CH, _DP), jnp.float32),
        pltpu.VMEM((_CH, _DP), jnp.float32),
        pltpu.VMEM((_TCH, _DP), jnp.float32),
        pltpu.VMEM((_TCH, _DP), jnp.float32),
        pltpu.SemaphoreType.DMA,
        pltpu.SemaphoreType.DMA,
        pltpu.SemaphoreType.DMA,
        pltpu.SemaphoreType.DMA,
    ],
)
def _gather(idxa_hbm, idxt_hbm, table_hbm, out_hbm, tail_hbm, trow_hbm,
            idxa_v, idxt_v, ba0, ba1, ba2, ba3, buft0, buft1,
            ga, sa, gt, st):
    cid = lax.axis_index("c")
    sid = lax.axis_index("s")
    wid = sid * _NC + cid
    base = wid * _BPW
    pltpu.sync_copy(idxa_hbm.at[pl.ds(base * _TA, _BPW * _TA)], idxa_v)
    pltpu.sync_copy(idxt_hbm.at[pl.ds(base * _TT, _TROWS)], idxt_v)

    bufsa = (ba0, ba1, ba2, ba3)
    bufst = (buft0, buft1)

    def start_gather(c, slot):
        pltpu.async_copy(
            table_hbm.at[idxa_v.at[pl.ds(c * _CH, _CH)]], bufsa[slot], ga
        )

    def wait_gather(c, slot):
        pltpu.make_async_copy(
            table_hbm.at[idxa_v.at[pl.ds(c * _CH, _CH)]], bufsa[slot], ga
        ).wait()

    def start_store(c, slot, l):
        b = c // 2
        toff = (l % 2) * _CH
        pltpu.async_copy(
            bufsa[slot].at[:, pl.ds(0, _DA)],
            out_hbm.at[base + b, pl.ds(toff, _CH), pl.ds(0, _DA)],
            sa,
        )
        pltpu.async_copy(
            bufsa[slot].at[:, pl.ds(_DA, _DP - _DA)],
            tail_hbm.at[base + b, pl.ds(toff, _CH)],
            sa,
        )

    def drain_store():
        pltpu.make_async_copy(table_hbm.at[pl.ds(0, _CH)], ba0, sa).wait()

    start_gather(0, 0)
    start_gather(1, 1)
    ngroup = _NCH // 4

    def body(i, carry):
        c0 = 4 * i
        for l in range(4):
            c = c0 + l
            wait_gather(c, l)
            if l < 2:
                @pl.when(i >= 1)
                def _():
                    drain_store()
            else:
                drain_store()
            start_store(c, l, l)
            if l < 2:
                start_gather(c + 2, (l + 2) % 4)
            else:
                @pl.when(i + 1 < ngroup)
                def _():
                    start_gather(c + 2, (l + 2) % 4)
        return carry

    lax.fori_loop(0, ngroup, body, 0)
    drain_store()
    drain_store()

    def t_gather(k, slot):
        return pltpu.async_copy(
            table_hbm.at[idxt_v.at[pl.ds(k * _TCH, _TCH)]], bufst[slot], gt
        )

    def t_store(k, slot):
        return pltpu.async_copy(
            bufst[slot], trow_hbm.at[pl.ds(wid * _TROWS + k * _TCH, _TCH)], st
        )

    t_gather(0, 0)
    tstores = [None, None]
    for k in range(_NTCH):
        slot = k % 2
        pltpu.make_async_copy(
            table_hbm.at[idxt_v.at[pl.ds(k * _TCH, _TCH)]], bufst[slot], gt
        ).wait()
        if tstores[1 - slot] is not None:
            tstores[1 - slot].wait()
            tstores[1 - slot] = None
        if k + 1 < _NTCH:
            t_gather(k + 1, 1 - slot)
        tstores[slot] = t_store(k, slot)
    for s in tstores:
        if s is not None:
            s.wait()


def kernel(input, token_embedding_table):
    idx = input.astype(jnp.int32)
    idxa = idx[:, :_TA].reshape(-1)
    idxt = idx[:, _TA:].reshape(-1)
    table_p = jnp.pad(token_embedding_table, ((0, 0), (0, _DP - _D)))
    main, tail, trow = _gather(idxa, idxt, table_p)
    out = lax.dynamic_update_slice(main, tail[:, :, : _D - _DA], (0, 0, _DA))
    trow_u = trow[:, :_D].reshape(_BATCH, _TT, _D)
    out = lax.dynamic_update_slice(out, trow_u, (0, _TA, 0))
    return out

# --- scband reference (transcript-rebuilt; emitter-appended) ---
"""Pipeline reference for scband-text-gen-model-22763326668818 (READ-ONLY COPY).

The authoritative reference and input builder live on the scoring server;
editing this copy changes nothing except your own understanding.
"""

import jax, jax.numpy as jnp
import numpy as np


def setup_inputs(seed: int = 0) -> dict:
    key = jax.random.key(seed)
    k1, k2 = jax.random.split(key)
    inp = jax.random.randint(k1, (1024, 50), 0, 1000, dtype=jnp.int64 if jax.config.jax_enable_x64 else jnp.int32)
    table = jax.random.normal(k2, (1000, 1000), dtype=jnp.float32)
    return {"input": inp, "token_embedding_table": table}


def reference(input, token_embedding_table):
    # Faithful translation of TextGenModel.forward with targets=None:
    # scores = self.token_embedding_Table(input); loss = None; return scores
    scores = jnp.take(token_embedding_table, input, axis=0)
    return scores

if __name__ == "__main__":
    import jax
    _d = setup_inputs()
    print(jax.jit(kernel)(*tuple(_d.values())))

</pallas_src>

<mosaic_0001>
#map = affine_map<(d0, d1) -> (0)>
#map1 = affine_map<(d0, d1) -> (0, 0)>
#map2 = affine_map<(d0, d1) -> (0, 0, 0)>
module attributes {stable_mosaic.version = 14 : i64} {
  func.func @_gather(%arg0: i32, %arg1: i32, %arg2: memref<49152xi32, #tpu.memory_space<hbm>>, %arg3: memref<2048xi32, #tpu.memory_space<hbm>>, %arg4: memref<1000x1024xf32, #tpu.memory_space<hbm>>, %arg5: memref<1024x50x1000xf32, #tpu.memory_space<hbm>>, %arg6: memref<1024x48x128xf32, #tpu.memory_space<hbm>>, %arg7: memref<2048x1024xf32, #tpu.memory_space<hbm>>, %arg8: memref<1536xi32, #tpu.memory_space<vmem>>, %arg9: memref<64xi32, #tpu.memory_space<vmem>>, %arg10: memref<24x1024xf32, #tpu.memory_space<vmem>>, %arg11: memref<24x1024xf32, #tpu.memory_space<vmem>>, %arg12: memref<24x1024xf32, #tpu.memory_space<vmem>>, %arg13: memref<24x1024xf32, #tpu.memory_space<vmem>>, %arg14: memref<8x1024xf32, #tpu.memory_space<vmem>>, %arg15: memref<8x1024xf32, #tpu.memory_space<vmem>>, %arg16: memref<!tpu.dma_semaphore, #tpu.memory_space<semaphore_mem>>, %arg17: memref<!tpu.dma_semaphore, #tpu.memory_space<semaphore_mem>>, %arg18: memref<!tpu.dma_semaphore, #tpu.memory_space<semaphore_mem>>, %arg19: memref<!tpu.dma_semaphore, #tpu.memory_space<semaphore_mem>>) attributes {dimension_semantics = [#tpu.dimension_semantics<core_parallel>, #tpu.dimension_semantics<subcore_parallel>], iteration_bounds = array<i64: 2, 16>, scalar_prefetch = 0 : i64, scratch_operands = 12 : i64, tpu.core_type = #tpu.core_type<sc_vector_subcore>, window_params = [{transform_indices = #map}, {transform_indices = #map}, {transform_indices = #map1}, {transform_indices = #map2}, {transform_indices = #map2}, {transform_indices = #map1}]} {
    %mul3A = arith.constant 2 : i32
    %mul3A_0 = arith.muli %arg1, %mul3A : i32
    %add3A = arith.addi %mul3A_0, %arg0 : i32
    %mul3A_1 = arith.constant 32 : i32
    %mul3A_2 = arith.muli %add3A, %mul3A_1 : i32
    %mul3A_3 = arith.constant 48 : i32
    %mul3A_4 = arith.muli %mul3A_2, %mul3A_3 : i32
    "tpu.region"() ({
      %run_scoped3A = tpu.sem_alloc : memref<!tpu.dma_semaphore, #tpu.memory_space<semaphore_mem>>
      %dma_start3A_208 = tpu.memref_slice %arg2[%mul3A_4] : memref<49152xi32, #tpu.memory_space<hbm>> -> memref<1536xi32, #tpu.memory_space<hbm>>
      %dma_start3A_209 = tpu.memref_slice %arg2[%mul3A_4] : memref<49152xi32, #tpu.memory_space<hbm>> -> memref<1536xi32, #tpu.memory_space<hbm>>
      tpu.enqueue_dma source(%dma_start3A_209 : memref<1536xi32, #tpu.memory_space<hbm>>) target(%arg8 : memref<1536xi32, #tpu.memory_space<vmem>>) target_semaphore(%run_scoped3A : memref<!tpu.dma_semaphore, #tpu.memory_space<semaphore_mem>>)
      %dma_wait3A_210 = tpu.memref_slice %arg2[%mul3A_4] : memref<49152xi32, #tpu.memory_space<hbm>> -> memref<1536xi32, #tpu.memory_space<hbm>>
      %dma_wait3A_211 = tpu.memref_slice %arg2[%mul3A_4] : memref<49152xi32, #tpu.memory_space<hbm>> -> memref<1536xi32, #tpu.memory_space<hbm>>
      tpu.wait_dma2 semaphore(%run_scoped3A : memref<!tpu.dma_semaphore, #tpu.memory_space<semaphore_mem>>) src(%dma_wait3A_211 : memref<1536xi32, #tpu.memory_space<hbm>>) dst(%arg8 : memref<1536xi32, #tpu.memory_space<vmem>>)
      tpu.yield
    }) : () -> ()
    %mul3A_5 = arith.constant 2 : i32
    %mul3A_6 = arith.muli %mul3A_2, %mul3A_5 : i32
    "tpu.region"() ({
      %run_scoped3A = tpu.sem_alloc : memref<!tpu.dma_semaphore, #tpu.memory_space<semaphore_mem>>
      %dma_start3A_208 = tpu.memref_slice %arg3[%mul3A_6] : memref<2048xi32, #tpu.memory_space<hbm>> -> memref<64xi32, #tpu.memory_space<hbm>>
      %dma_start3A_209 = tpu.memref_slice %arg3[%mul3A_6] : memref<2048xi32, #tpu.memory_space<hbm>> -> memref<64xi32, #tpu.memory_space<hbm>>
      tpu.enqueue_dma source(%dma_start3A_209 : memref<64xi32, #tpu.memory_space<hbm>>) target(%arg9 : memref<64xi32, #tpu.memory_space<vmem>>) target_semaphore(%run_scoped3A : memref<!tpu.dma_semaphore, #tpu.memory_space<semaphore_mem>>)
      %dma_wait3A_210 = tpu.memref_slice %arg3[%mul3A_6] : memref<2048xi32, #tpu.memory_space<hbm>> -> memref<64xi32, #tpu.memory_space<hbm>>
      %dma_wait3A_211 = tpu.memref_slice %arg3[%mul3A_6] : memref<2048xi32, #tpu.memory_space<hbm>> -> memref<64xi32, #tpu.memory_space<hbm>>
      tpu.wait_dma2 semaphore(%run_scoped3A : memref<!tpu.dma_semaphore, #tpu.memory_space<semaphore_mem>>) src(%dma_wait3A_211 : memref<64xi32, #tpu.memory_space<hbm>>) dst(%arg9 : memref<64xi32, #tpu.memory_space<vmem>>)
      tpu.yield
    }) : () -> ()
    %dma_start3A = arith.constant 0 : i32
    %dma_start3A_7 = tpu.memref_slice %arg8[%dma_start3A] : memref<1536xi32, #tpu.memory_space<vmem>> -> memref<24xi32, #tpu.memory_space<vmem>>
    %dma_start3A_8 = arith.constant 0 : i32
    %dma_start3A_9 = arith.constant 0 : i32
    %dma_start3A_10 = tpu.memref_slice %arg4[%dma_start3A_8, %dma_start3A_9] : memref<1000x1024xf32, #tpu.memory_space<hbm>> -> memref<1000x1024xf32, #tpu.memory_space<hbm>>
    tpu.enqueue_indirect_dma source(%dma_start3A_10 : memref<1000x1024xf32, #tpu.memory_space<hbm>>) target(%arg10 : memref<24x1024xf32, #tpu.memory_space<vmem>>) offsets(%dma_start3A_7 : memref<24xi32, #tpu.memory_space<vmem>>) semaphore(%arg16 : memref<!tpu.dma_semaphore, #tpu.memory_space<semaphore_mem>>)
    %dma_start3A_11 = arith.constant 24 : i32
    %dma_start3A_12 = tpu.memref_slice %arg8[%dma_start3A_11] : memref<1536xi32, #tpu.memory_space<vmem>> -> memref<24xi32, #tpu.memory_space<vmem>>
    %dma_start3A_13 = arith.constant 0 : i32
    %dma_start3A_14 = arith.constant 0 : i32
    %dma_start3A_15 = tpu.memref_slice %arg4[%dma_start3A_13, %dma_start3A_14] : memref<1000x1024xf32, #tpu.memory_space<hbm>> -> memref<1000x1024xf32, #tpu.memory_space<hbm>>
    tpu.enqueue_indirect_dma source(%dma_start3A_15 : memref<1000x1024xf32, #tpu.memory_space<hbm>>) target(%arg11 : memref<24x1024xf32, #tpu.memory_space<vmem>>) offsets(%dma_start3A_12 : memref<24xi32, #tpu.memory_space<vmem>>) semaphore(%arg16 : memref<!tpu.dma_semaphore, #tpu.memory_space<semaphore_mem>>)
    %scan3A = arith.constant 0 : i32
    %scan3A_16 = arith.constant 0 : i32
    %scan3A_17 = arith.constant 16 : i32
    %scan3A_18 = arith.addi %scan3A_16, %scan3A_17 : i32
    %scan3A_19 = arith.constant 1 : i32
    scf.for %scan3A_208 = %scan3A_16 to %scan3A_18 step %scan3A_19  : i32 {
      %mul3A_209 = arith.constant 4 : i32
      %mul3A_210 = arith.muli %mul3A_209, %scan3A_208 : i32
      %add3A_211 = arith.constant 0 : i32
      %add3A_212 = arith.addi %mul3A_210, %add3A_211 : i32
      %mul3A_213 = arith.constant 24 : i32
      %mul3A_214 = arith.muli %add3A_212, %mul3A_213 : i32
      %dma_wait3A_215 = tpu.memref_slice %arg8[%mul3A_214] : memref<1536xi32, #tpu.memory_space<vmem>> -> memref<24xi32, #tpu.memory_space<vmem>>
      %dma_wait3A_216 = arith.constant 0 : i32
      %dma_wait3A_217 = arith.constant 0 : i32
      %dma_wait3A_218 = tpu.memref_slice %arg4[%dma_wait3A_216, %dma_wait3A_217] : memref<1000x1024xf32, #tpu.memory_space<hbm>> -> memref<1000x1024xf32, #tpu.memory_space<hbm>>
      tpu.wait_indirect_dma semaphore(%arg16 : memref<!tpu.dma_semaphore, #tpu.memory_space<semaphore_mem>>) src(%dma_wait3A_218 : memref<1000x1024xf32, #tpu.memory_space<hbm>>) dst(%arg10 : memref<24x1024xf32, #tpu.memory_space<vmem>>)
      %ge3A = arith.constant 1 : i32
      %ge3A_219 = arith.cmpi sge, %scan3A_208, %ge3A : i32
      %convert_element_type3A = arith.extui %ge3A_219 : i1 to i32
      %cond3A = arith.constant 0 : i32
      %cond3A_220 = arith.cmpi ne, %convert_element_type3A, %cond3A : i32
      scf.if %cond3A_220 {
        %dma_wait3A_499 = arith.constant 0 : i32
        %dma_wait3A_500 = arith.constant 0 : i32
        %dma_wait3A_501 = tpu.memref_slice %arg4[%dma_wait3A_499, %dma_wait3A_500] : memref<1000x1024xf32, #tpu.memory_space<hbm>> -> memref<24x1024xf32, #tpu.memory_space<hbm>>
        %dma_wait3A_502 = arith.constant 0 : i32
        %dma_wait3A_503 = arith.constant 0 : i32
        %dma_wait3A_504 = tpu.memref_slice %arg4[%dma_wait3A_502, %dma_wait3A_503] : memref<1000x1024xf32, #tpu.memory_space<hbm>> -> memref<24x1024xf32, #tpu.memory_space<hbm>>
        tpu.wait_dma2 semaphore(%arg17 : memref<!tpu.dma_semaphore, #tpu.memory_space<semaphore_mem>>) src(%dma_wait3A_504 : memref<24x1024xf32, #tpu.memory_space<hbm>>) dst(%arg10 : memref<24x1024xf32, #tpu.memory_space<vmem>>)
      } else {
      }
      %jit3A = arith.constant 2 : i32
      %div3A = arith.divsi %add3A_212, %jit3A : i32
      %sign3A = arith.constant 0 : i32
      %sign3A_221 = arith.cmpi sgt, %add3A_212, %sign3A : i32
      %sign3A_222 = arith.extui %sign3A_221 : i1 to i32
      %sign3A_223 = arith.constant 0 : i32
      %sign3A_224 = arith.cmpi slt, %add3A_212, %sign3A_223 : i32
      %sign3A_225 = arith.extui %sign3A_224 : i1 to i32
      %sign3A_226 = arith.subi %sign3A_222, %sign3A_225 : i32
      %sign3A_227 = arith.constant 0 : i32
      %sign3A_228 = arith.cmpi sgt, %jit3A, %sign3A_227 : i32
      %sign3A_229 = arith.extui %sign3A_228 : i1 to i32
      %sign3A_230 = arith.constant 0 : i32
      %sign3A_231 = arith.cmpi slt, %jit3A, %sign3A_230 : i32
      %sign3A_232 = arith.extui %sign3A_231 : i1 to i32
      %sign3A_233 = arith.subi %sign3A_229, %sign3A_232 : i32
      %ne3A = arith.cmpi ne, %sign3A_226, %sign3A_233 : i32
      %rem3A = arith.remsi %add3A_212, %jit3A : i32
      %ne3A_234 = arith.constant 0 : i32
      %ne3A_235 = arith.cmpi ne, %rem3A, %ne3A_234 : i32
      %and3A = arith.andi %ne3A, %ne3A_235 : i1
      %sub3A = arith.constant 1 : i32
      %sub3A_236 = arith.subi %div3A, %sub3A : i32
      %select_n3A = arith.select %and3A, %sub3A_236, %div3A : i32
      %add3A_237 = arith.addi %mul3A_2, %select_n3A : i32
      %dma_start3A_238 = arith.constant 0 : i32
      %dma_start3A_239 = arith.constant 0 : i32
      %dma_start3A_240 = tpu.memref_slice %arg10[%dma_start3A_238, %dma_start3A_239] : memref<24x1024xf32, #tpu.memory_space<vmem>> -> memref<24x896xf32, #tpu.memory_space<vmem>>
      %dma_start3A_241 = arith.constant 0 : i32
      %dma_start3A_242 = arith.constant 0 : i32
      %dma_start3A_243 = tpu.memref_slice %arg5[%add3A_237, %dma_start3A_241, %dma_start3A_242] : memref<1024x50x1000xf32, #tpu.memory_space<hbm>> -> memref<1x24x896xf32, #tpu.memory_space<hbm>>
      %dma_start3A_244 = tpu.memref_squeeze %dma_start3A_243 : memref<1x24x896xf32, #tpu.memory_space<hbm>> -> memref<24x896xf32, #tpu.memory_space<hbm>>
      %dma_start3A_245 = arith.constant 0 : i32
      %dma_start3A_246 = arith.constant 0 : i32
      %dma_start3A_247 = tpu.memref_slice %arg5[%add3A_237, %dma_start3A_245, %dma_start3A_246] : memref<1024x50x1000xf32, #tpu.memory_space<hbm>> -> memref<1x24x896xf32, #tpu.memory_space<hbm>>
      %dma_start3A_248 = tpu.memref_squeeze %dma_start3A_247 : memref<1x24x896xf32, #tpu.memory_space<hbm>> -> memref<24x896xf32, #tpu.memory_space<hbm>>
      %dma_start3A_249 = arith.constant 0 : i32
      %dma_start3A_250 = arith.constant 0 : i32
      %dma_start3A_251 = tpu.memref_slice %arg10[%dma_start3A_249, %dma_start3A_250] : memref<24x1024xf32, #tpu.memory_space<vmem>> -> memref<24x896xf32, #tpu.memory_space<vmem>>
      tpu.enqueue_dma source(%dma_start3A_251 : memref<24x896xf32, #tpu.memory_space<vmem>>) target(%dma_start3A_248 : memref<24x896xf32, #tpu.memory_space<hbm>>) target_semaphore(%arg17 : memref<!tpu.dma_semaphore, #tpu.memory_space<semaphore_mem>>)
      %add3A_252 = arith.addi %mul3A_2, %select_n3A : i32
      %dma_start3A_253 = arith.constant 0 : i32
      %dma_start3A_254 = arith.constant 896 : i32
      %dma_start3A_255 = tpu.memref_slice %arg10[%dma_start3A_253, %dma_start3A_254] : memref<24x1024xf32, #tpu.memory_space<vmem>> -> memref<24x128xf32, #tpu.memory_space<vmem>>
      %dma_start3A_256 = arith.constant 0 : i32
      %dma_start3A_257 = arith.constant 0 : i32
      %dma_start3A_258 = tpu.memref_slice %arg6[%add3A_252, %dma_start3A_256, %dma_start3A_257] : memref<1024x48x128xf32, #tpu.memory_space<hbm>> -> memref<1x24x128xf32, #tpu.memory_space<hbm>>
      %dma_start3A_259 = tpu.memref_squeeze %dma_start3A_258 : memref<1x24x128xf32, #tpu.memory_space<hbm>> -> memref<24x128xf32, #tpu.memory_space<hbm>>
      %dma_start3A_260 = arith.constant 0 : i32
      %dma_start3A_261 = arith.constant 0 : i32
      %dma_start3A_262 = tpu.memref_slice %arg6[%add3A_252, %dma_start3A_260, %dma_start3A_261] : memref<1024x48x128xf32, #tpu.memory_space<hbm>> -> memref<1x24x128xf32, #tpu.memory_space<hbm>>
      %dma_start3A_263 = tpu.memref_squeeze %dma_start3A_262 : memref<1x24x128xf32, #tpu.memory_space<hbm>> -> memref<24x128xf32, #tpu.memory_space<hbm>>
      %dma_start3A_264 = arith.constant 0 : i32
      %dma_start3A_265 = arith.constant 896 : i32
      %dma_start3A_266 = tpu.memref_slice %arg10[%dma_start3A_264, %dma_start3A_265] : memref<24x1024xf32, #tpu.memory_space<vmem>> -> memref<24x128xf32, #tpu.memory_space<vmem>>
      tpu.enqueue_dma source(%dma_start3A_266 : memref<24x128xf32, #tpu.memory_space<vmem>>) target(%dma_start3A_263 : memref<24x128xf32, #tpu.memory_space<hbm>>) target_semaphore(%arg17 : memref<!tpu.dma_semaphore, #tpu.memory_space<semaphore_mem>>)
      %add3A_267 = arith.constant 2 : i32
      %add3A_268 = arith.addi %add3A_212, %add3A_267 : i32
      %mul3A_269 = arith.constant 24 : i32
      %mul3A_270 = arith.muli %add3A_268, %mul3A_269 : i32
      %dma_start3A_271 = tpu.memref_slice %arg8[%mul3A_270] : memref<1536xi32, #tpu.memory_space<vmem>> -> memref<24xi32, #tpu.memory_space<vmem>>
      %dma_start3A_272 = arith.constant 0 : i32
      %dma_start3A_273 = arith.constant 0 : i32
      %dma_start3A_274 = tpu.memref_slice %arg4[%dma_start3A_272, %dma_start3A_273] : memref<1000x1024xf32, #tpu.memory_space<hbm>> -> memref<1000x1024xf32, #tpu.memory_space<hbm>>
      tpu.enqueue_indirect_dma source(%dma_start3A_274 : memref<1000x1024xf32, #tpu.memory_space<hbm>>) target(%arg12 : memref<24x1024xf32, #tpu.memory_space<vmem>>) offsets(%dma_start3A_271 : memref<24xi32, #tpu.memory_space<vmem>>) semaphore(%arg16 : memref<!tpu.dma_semaphore, #tpu.memory_space<semaphore_mem>>)
      %add3A_275 = arith.constant 1 : i32
      %add3A_276 = arith.addi %mul3A_210, %add3A_275 : i32
      %mul3A_277 = arith.constant 24 : i32
      %mul3A_278 = arith.muli %add3A_276, %mul3A_277 : i32
      %dma_wait3A_279 = tpu.memref_slice %arg8[%mul3A_278] : memref<1536xi32, #tpu.memory_space<vmem>> -> memref<24xi32, #tpu.memory_space<vmem>>
      %dma_wait3A_280 = arith.constant 0 : i32
      %dma_wait3A_281 = arith.constant 0 : i32
      %dma_wait3A_282 = tpu.memref_slice %arg4[%dma_wait3A_280, %dma_wait3A_281] : memref<1000x1024xf32, #tpu.memory_space<hbm>> -> memref<1000x1024xf32, #tpu.memory_space<hbm>>
      tpu.wait_indirect_dma semaphore(%arg16 : memref<!tpu.dma_semaphore, #tpu.memory_space<semaphore_mem>>) src(%dma_wait3A_282 : memref<1000x1024xf32, #tpu.memory_space<hbm>>) dst(%arg11 : memref<24x1024xf32, #tpu.memory_space<vmem>>)
      %ge3A_283 = arith.constant 1 : i32
      %ge3A_284 = arith.cmpi sge, %scan3A_208, %ge3A_283 : i32
      %convert_element_type3A_285 = arith.extui %ge3A_284 : i1 to i32
      %cond3A_286 = arith.constant 0 : i32
      %cond3A_287 = arith.cmpi ne, %convert_element_type3A_285, %cond3A_286 : i32
      scf.if %cond3A_287 {
        %dma_wait3A_499 = arith.constant 0 : i32
        %dma_wait3A_500 = arith.constant 0 : i32
        %dma_wait3A_501 = tpu.memref_slice %arg4[%dma_wait3A_499, %dma_wait3A_500] : memref<1000x1024xf32, #tpu.memory_space<hbm>> -> memref<24x1024xf32, #tpu.memory_space<hbm>>
        %dma_wait3A_502 = arith.constant 0 : i32
        %dma_wait3A_503 = arith.constant 0 : i32
        %dma_wait3A_504 = tpu.memref_slice %arg4[%dma_wait3A_502, %dma_wait3A_503] : memref<1000x1024xf32, #tpu.memory_space<hbm>> -> memref<24x1024xf32, #tpu.memory_space<hbm>>
        tpu.wait_dma2 semaphore(%arg17 : memref<!tpu.dma_semaphore, #tpu.memory_space<semaphore_mem>>) src(%dma_wait3A_504 : memref<24x1024xf32, #tpu.memory_space<hbm>>) dst(%arg10 : memref<24x1024xf32, #tpu.memory_space<vmem>>)
      } else {
      }
      %jit3A_288 = arith.constant 2 : i32
      %div3A_289 = arith.divsi %add3A_276, %jit3A_288 : i32
      %sign3A_290 = arith.constant 0 : i32
      %sign3A_291 = arith.cmpi sgt, %add3A_276, %sign3A_290 : i32
      %sign3A_292 = arith.extui %sign3A_291 : i1 to i32
      %sign3A_293 = arith.constant 0 : i32
      %sign3A_294 = arith.cmpi slt, %add3A_276, %sign3A_293 : i32
      %sign3A_295 = arith.extui %sign3A_294 : i1 to i32
      %sign3A_296 = arith.subi %sign3A_292, %sign3A_295 : i32
      %sign3A_297 = arith.constant 0 : i32
      %sign3A_298 = arith.cmpi sgt, %jit3A_288, %sign3A_297 : i32
      %sign3A_299 = arith.extui %sign3A_298 : i1 to i32
      %sign3A_300 = arith.constant 0 : i32
      %sign3A_301 = arith.cmpi slt, %jit3A_288, %sign3A_300 : i32
      %sign3A_302 = arith.extui %sign3A_301 : i1 to i32
      %sign3A_303 = arith.subi %sign3A_299, %sign3A_302 : i32
      %ne3A_304 = arith.cmpi ne, %sign3A_296, %sign3A_303 : i32
      %rem3A_305 = arith.remsi %add3A_276, %jit3A_288 : i32
      %ne3A_306 = arith.constant 0 : i32
      %ne3A_307 = arith.cmpi ne, %rem3A_305, %ne3A_306 : i32
      %and3A_308 = arith.andi %ne3A_304, %ne3A_307 : i1
      %sub3A_309 = arith.constant 1 : i32
      %sub3A_310 = arith.subi %div3A_289, %sub3A_309 : i32
      %select_n3A_311 = arith.select %and3A_308, %sub3A_310, %div3A_289 : i32
      %add3A_312 = arith.addi %mul3A_2, %select_n3A_311 : i32
      %dma_start3A_313 = arith.constant 0 : i32
      %dma_start3A_314 = arith.constant 0 : i32
      %dma_start3A_315 = tpu.memref_slice %arg11[%dma_start3A_313, %dma_start3A_314] : memref<24x1024xf32, #tpu.memory_space<vmem>> -> memref<24x896xf32, #tpu.memory_space<vmem>>
      %dma_start3A_316 = arith.constant 24 : i32
      %dma_start3A_317 = arith.constant 0 : i32
      %dma_start3A_318 = tpu.memref_slice %arg5[%add3A_312, %dma_start3A_316, %dma_start3A_317] : memref<1024x50x1000xf32, #tpu.memory_space<hbm>> -> memref<1x24x896xf32, #tpu.memory_space<hbm>>
      %dma_start3A_319 = tpu.memref_squeeze %dma_start3A_318 : memref<1x24x896xf32, #tpu.memory_space<hbm>> -> memref<24x896xf32, #tpu.memory_space<hbm>>
      %dma_start3A_320 = arith.constant 24 : i32
      %dma_start3A_321 = arith.constant 0 : i32
      %dma_start3A_322 = tpu.memref_slice %arg5[%add3A_312, %dma_start3A_320, %dma_start3A_321] : memref<1024x50x1000xf32, #tpu.memory_space<hbm>> -> memref<1x24x896xf32, #tpu.memory_space<hbm>>
      %dma_start3A_323 = tpu.memref_squeeze %dma_start3A_322 : memref<1x24x896xf32, #tpu.memory_space<hbm>> -> memref<24x896xf32, #tpu.memory_space<hbm>>
      %dma_start3A_324 = arith.constant 0 : i32
      %dma_start3A_325 = arith.constant 0 : i32
      %dma_start3A_326 = tpu.memref_slice %arg11[%dma_start3A_324, %dma_start3A_325] : memref<24x1024xf32, #tpu.memory_space<vmem>> -> memref<24x896xf32, #tpu.memory_space<vmem>>
      tpu.enqueue_dma source(%dma_start3A_326 : memref<24x896xf32, #tpu.memory_space<vmem>>) target(%dma_start3A_323 : memref<24x896xf32, #tpu.memory_space<hbm>>) target_semaphore(%arg17 : memref<!tpu.dma_semaphore, #tpu.memory_space<semaphore_mem>>)
      %add3A_327 = arith.addi %mul3A_2, %select_n3A_311 : i32
      %dma_start3A_328 = arith.constant 0 : i32
      %dma_start3A_329 = arith.constant 896 : i32
      %dma_start3A_330 = tpu.memref_slice %arg11[%dma_start3A_328, %dma_start3A_329] : memref<24x1024xf32, #tpu.memory_space<vmem>> -> memref<24x128xf32, #tpu.memory_space<vmem>>
      %dma_start3A_331 = arith.constant 24 : i32
      %dma_start3A_332 = arith.constant 0 : i32
      %dma_start3A_333 = tpu.memref_slice %arg6[%add3A_327, %dma_start3A_331, %dma_start3A_332] : memref<1024x48x128xf32, #tpu.memory_space<hbm>> -> memref<1x24x128xf32, #tpu.memory_space<hbm>>
      %dma_start3A_334 = tpu.memref_squeeze %dma_start3A_333 : memref<1x24x128xf32, #tpu.memory_space<hbm>> -> memref<24x128xf32, #tpu.memory_space<hbm>>
      %dma_start3A_335 = arith.constant 24 : i32
      %dma_start3A_336 = arith.constant 0 : i32
      %dma_start3A_337 = tpu.memref_slice %arg6[%add3A_327, %dma_start3A_335, %dma_start3A_336] : memref<1024x48x128xf32, #tpu.memory_space<hbm>> -> memref<1x24x128xf32, #tpu.memory_space<hbm>>
      %dma_start3A_338 = tpu.memref_squeeze %dma_start3A_337 : memref<1x24x128xf32, #tpu.memory_space<hbm>> -> memref<24x128xf32, #tpu.memory_space<hbm>>
      %dma_start3A_339 = arith.constant 0 : i32
      %dma_start3A_340 = arith.constant 896 : i32
      %dma_start3A_341 = tpu.memref_slice %arg11[%dma_start3A_339, %dma_start3A_340] : memref<24x1024xf32, #tpu.memory_space<vmem>> -> memref<24x128xf32, #tpu.memory_space<vmem>>
      tpu.enqueue_dma source(%dma_start3A_341 : memref<24x128xf32, #tpu.memory_space<vmem>>) target(%dma_start3A_338 : memref<24x128xf32, #tpu.memory_space<hbm>>) target_semaphore(%arg17 : memref<!tpu.dma_semaphore, #tpu.memory_space<semaphore_mem>>)
      %add3A_342 = arith.constant 2 : i32
      %add3A_343 = arith.addi %add3A_276, %add3A_342 : i32
      %mul3A_344 = arith.constant 24 : i32
      %mul3A_345 = arith.muli %add3A_343, %mul3A_344 : i32
      %dma_start3A_346 = tpu.memref_slice %arg8[%mul3A_345] : memref<1536xi32, #tpu.memory_space<vmem>> -> memref<24xi32, #tpu.memory_space<vmem>>
      %dma_start3A_347 = arith.constant 0 : i32
      %dma_start3A_348 = arith.constant 0 : i32
      %dma_start3A_349 = tpu.memref_slice %arg4[%dma_start3A_347, %dma_start3A_348] : memref<1000x1024xf32, #tpu.memory_space<hbm>> -> memref<1000x1024xf32, #tpu.memory_space<hbm>>
      tpu.enqueue_indirect_dma source(%dma_start3A_349 : memref<1000x1024xf32, #tpu.memory_space<hbm>>) target(%arg13 : memref<24x1024xf32, #tpu.memory_space<vmem>>) offsets(%dma_start3A_346 : memref<24xi32, #tpu.memory_space<vmem>>) semaphore(%arg16 : memref<!tpu.dma_semaphore, #tpu.memory_space<semaphore_mem>>)
      %add3A_350 = arith.constant 2 : i32
      %add3A_351 = arith.addi %mul3A_210, %add3A_350 : i32
      %mul3A_352 = arith.constant 24 : i32
      %mul3A_353 = arith.muli %add3A_351, %mul3A_352 : i32
      %dma_wait3A_354 = tpu.memref_slice %arg8[%mul3A_353] : memref<1536xi32, #tpu.memory_space<vmem>> -> memref<24xi32, #tpu.memory_space<vmem>>
      %dma_wait3A_355 = arith.constant 0 : i32
      %dma_wait3A_356 = arith.constant 0 : i32
      %dma_wait3A_357 = tpu.memref_slice %arg4[%dma_wait3A_355, %dma_wait3A_356] : memref<1000x1024xf32, #tpu.memory_space<hbm>> -> memref<1000x1024xf32, #tpu.memory_space<hbm>>
      tpu.wait_indirect_dma semaphore(%arg16 : memref<!tpu.dma_semaphore, #tpu.memory_space<semaphore_mem>>) src(%dma_wait3A_357 : memref<1000x1024xf32, #tpu.memory_space<hbm>>) dst(%arg12 : memref<24x1024xf32, #tpu.memory_space<vmem>>)
      %dma_wait3A_358 = arith.constant 0 : i32
      %dma_wait3A_359 = arith.constant 0 : i32
      %dma_wait3A_360 = tpu.memref_slice %arg4[%dma_wait3A_358, %dma_wait3A_359] : memref<1000x1024xf32, #tpu.memory_space<hbm>> -> memref<24x1024xf32, #tpu.memory_space<hbm>>
      %dma_wait3A_361 = arith.constant 0 : i32
      %dma_wait3A_362 = arith.constant 0 : i32
      %dma_wait3A_363 = tpu.memref_slice %arg4[%dma_wait3A_361, %dma_wait3A_362] : memref<1000x1024xf32, #tpu.memory_space<hbm>> -> memref<24x1024xf32, #tpu.memory_space<hbm>>
      tpu.wait_dma2 semaphore(%arg17 : memref<!tpu.dma_semaphore, #tpu.memory_space<semaphore_mem>>) src(%dma_wait3A_363 : memref<24x1024xf32, #tpu.memory_space<hbm>>) dst(%arg10 : memref<24x1024xf32, #tpu.memory_space<vmem>>)
      %jit3A_364 = arith.constant 2 : i32
      %div3A_365 = arith.divsi %add3A_351, %jit3A_364 : i32
      %sign3A_366 = arith.constant 0 : i32
      %sign3A_367 = arith.cmpi sgt, %add3A_351, %sign3A_366 : i32
      %sign3A_368 = arith.extui %sign3A_367 : i1 to i32
      %sign3A_369 = arith.constant 0 : i32
      %sign3A_370 = arith.cmpi slt, %add3A_351, %sign3A_369 : i32
      %sign3A_371 = arith.extui %sign3A_370 : i1 to i32
      %sign3A_372 = arith.subi %sign3A_368, %sign3A_371 : i32
      %sign3A_373 = arith.constant 0 : i32
      %sign3A_374 = arith.cmpi sgt, %jit3A_364, %sign3A_373 : i32
      %sign3A_375 = arith.extui %sign3A_374 : i1 to i32
      %sign3A_376 = arith.constant 0 : i32
      %sign3A_377 = arith.cmpi slt, %jit3A_364, %sign3A_376 : i32
      %sign3A_378 = arith.extui %sign3A_377 : i1 to i32
      %sign3A_379 = arith.subi %sign3A_375, %sign3A_378 : i32
      %ne3A_380 = arith.cmpi ne, %sign3A_372, %sign3A_379 : i32
      %rem3A_381 = arith.remsi %add3A_351, %jit3A_364 : i32
      %ne3A_382 = arith.constant 0 : i32
      %ne3A_383 = arith.cmpi ne, %rem3A_381, %ne3A_382 : i32
      %and3A_384 = arith.andi %ne3A_380, %ne3A_383 : i1
      %sub3A_385 = arith.constant 1 : i32
      %sub3A_386 = arith.subi %div3A_365, %sub3A_385 : i32
      %select_n3A_387 = arith.select %and3A_384, %sub3A_386, %div3A_365 : i32
      %add3A_388 = arith.addi %mul3A_2, %select_n3A_387 : i32
      %dma_start3A_389 = arith.constant 0 : i32
      %dma_start3A_390 = arith.constant 0 : i32
      %dma_start3A_391 = tpu.memref_slice %arg12[%dma_start3A_389, %dma_start3A_390] : memref<24x1024xf32, #tpu.memory_space<vmem>> -> memref<24x896xf32, #tpu.memory_space<vmem>>
      %dma_start3A_392 = arith.constant 0 : i32
      %dma_start3A_393 = arith.constant 0 : i32
      %dma_start3A_394 = tpu.memref_slice %arg5[%add3A_388, %dma_start3A_392, %dma_start3A_393] : memref<1024x50x1000xf32, #tpu.memory_space<hbm>> -> memref<1x24x896xf32, #tpu.memory_space<hbm>>
      %dma_start3A_395 = tpu.memref_squeeze %dma_start3A_394 : memref<1x24x896xf32, #tpu.memory_space<hbm>> -> memref<24x896xf32, #tpu.memory_space<hbm>>
      %dma_start3A_396 = arith.constant 0 : i32
      %dma_start3A_397 = arith.constant 0 : i32
      %dma_start3A_398 = tpu.memref_slice %arg5[%add3A_388, %dma_start3A_396, %dma_start3A_397] : memref<1024x50x1000xf32, #tpu.memory_space<hbm>> -> memref<1x24x896xf32, #tpu.memory_space<hbm>>
      %dma_start3A_399 = tpu.memref_squeeze %dma_start3A_398 : memref<1x24x896xf32, #tpu.memory_space<hbm>> -> memref<24x896xf32, #tpu.memory_space<hbm>>
      %dma_start3A_400 = arith.constant 0 : i32
      %dma_start3A_401 = arith.constant 0 : i32
      %dma_start3A_402 = tpu.memref_slice %arg12[%dma_start3A_400, %dma_start3A_401] : memref<24x1024xf32, #tpu.memory_space<vmem>> -> memref<24x896xf32, #tpu.memory_space<vmem>>
      tpu.enqueue_dma source(%dma_start3A_402 : memref<24x896xf32, #tpu.memory_space<vmem>>) target(%dma_start3A_399 : memref<24x896xf32, #tpu.memory_space<hbm>>) target_semaphore(%arg17 : memref<!tpu.dma_semaphore, #tpu.memory_space<semaphore_mem>>)
      %add3A_403 = arith.addi %mul3A_2, %select_n3A_387 : i32
      %dma_start3A_404 = arith.constant 0 : i32
      %dma_start3A_405 = arith.constant 896 : i32
      %dma_start3A_406 = tpu.memref_slice %arg12[%dma_start3A_404, %dma_start3A_405] : memref<24x1024xf32, #tpu.memory_space<vmem>> -> memref<24x128xf32, #tpu.memory_space<vmem>>
      %dma_start3A_407 = arith.constant 0 : i32
      %dma_start3A_408 = arith.constant 0 : i32
      %dma_start3A_409 = tpu.memref_slice %arg6[%add3A_403, %dma_start3A_407, %dma_start3A_408] : memref<1024x48x128xf32, #tpu.memory_space<hbm>> -> memref<1x24x128xf32, #tpu.memory_space<hbm>>
      %dma_start3A_410 = tpu.memref_squeeze %dma_start3A_409 : memref<1x24x128xf32, #tpu.memory_space<hbm>> -> memref<24x128xf32, #tpu.memory_space<hbm>>
      %dma_start3A_411 = arith.constant 0 : i32
      %dma_start3A_412 = arith.constant 0 : i32
      %dma_start3A_413 = tpu.memref_slice %arg6[%add3A_403, %dma_start3A_411, %dma_start3A_412] : memref<1024x48x128xf32, #tpu.memory_space<hbm>> -> memref<1x24x128xf32, #tpu.memory_space<hbm>>
      %dma_start3A_414 = tpu.memref_squeeze %dma_start3A_413 : memref<1x24x128xf32, #tpu.memory_space<hbm>> -> memref<24x128xf32, #tpu.memory_space<hbm>>
      %dma_start3A_415 = arith.constant 0 : i32
      %dma_start3A_416 = arith.constant 896 : i32
      %dma_start3A_417 = tpu.memref_slice %arg12[%dma_start3A_415, %dma_start3A_416] : memref<24x1024xf32, #tpu.memory_space<vmem>> -> memref<24x128xf32, #tpu.memory_space<vmem>>
      tpu.enqueue_dma source(%dma_start3A_417 : memref<24x128xf32, #tpu.memory_space<vmem>>) target(%dma_start3A_414 : memref<24x128xf32, #tpu.memory_space<hbm>>) target_semaphore(%arg17 : memref<!tpu.dma_semaphore, #tpu.memory_space<semaphore_mem>>)
      %add3A_418 = arith.constant 1 : i32
      %add3A_419 = arith.addi %scan3A_208, %add3A_418 : i32
      %lt3A = arith.constant 16 : i32
      %lt3A_420 = arith.cmpi slt, %add3A_419, %lt3A : i32
      %convert_element_type3A_421 = arith.extui %lt3A_420 : i1 to i32
      %cond3A_422 = arith.constant 0 : i32
      %cond3A_423 = arith.cmpi ne, %convert_element_type3A_421, %cond3A_422 : i32
      scf.if %cond3A_423 {
        %add3A_499 = arith.constant 2 : i32
        %add3A_500 = arith.addi %add3A_351, %add3A_499 : i32
        %mul3A_501 = arith.constant 24 : i32
        %mul3A_502 = arith.muli %add3A_500, %mul3A_501 : i32
        %dma_start3A_503 = tpu.memref_slice %arg8[%mul3A_502] : memref<1536xi32, #tpu.memory_space<vmem>> -> memref<24xi32, #tpu.memory_space<vmem>>
        %dma_start3A_504 = arith.constant 0 : i32
        %dma_start3A_505 = arith.constant 0 : i32
        %dma_start3A_506 = tpu.memref_slice %arg4[%dma_start3A_504, %dma_start3A_505] : memref<1000x1024xf32, #tpu.memory_space<hbm>> -> memref<1000x1024xf32, #tpu.memory_space<hbm>>
        tpu.enqueue_indirect_dma source(%dma_start3A_506 : memref<1000x1024xf32, #tpu.memory_space<hbm>>) target(%arg10 : memref<24x1024xf32, #tpu.memory_space<vmem>>) offsets(%dma_start3A_503 : memref<24xi32, #tpu.memory_space<vmem>>) semaphore(%arg16 : memref<!tpu.dma_semaphore, #tpu.memory_space<semaphore_mem>>)
      } else {
      }
      %add3A_424 = arith.constant 3 : i32
      %add3A_425 = arith.addi %mul3A_210, %add3A_424 : i32
      %mul3A_426 = arith.constant 24 : i32
      %mul3A_427 = arith.muli %add3A_425, %mul3A_426 : i32
      %dma_wait3A_428 = tpu.memref_slice %arg8[%mul3A_427] : memref<1536xi32, #tpu.memory_space<vmem>> -> memref<24xi32, #tpu.memory_space<vmem>>
      %dma_wait3A_429 = arith.constant 0 : i32
      %dma_wait3A_430 = arith.constant 0 : i32
      %dma_wait3A_431 = tpu.memref_slice %arg4[%dma_wait3A_429, %dma_wait3A_430] : memref<1000x1024xf32, #tpu.memory_space<hbm>> -> memref<1000x1024xf32, #tpu.memory_space<hbm>>
      tpu.wait_indirect_dma semaphore(%arg16 : memref<!tpu.dma_semaphore, #tpu.memory_space<semaphore_mem>>) src(%dma_wait3A_431 : memref<1000x1024xf32, #tpu.memory_space<hbm>>) dst(%arg13 : memref<24x1024xf32, #tpu.memory_space<vmem>>)
      %dma_wait3A_432 = arith.constant 0 : i32
      %dma_wait3A_433 = arith.constant 0 : i32
      %dma_wait3A_434 = tpu.memref_slice %arg4[%dma_wait3A_432, %dma_wait3A_433] : memref<1000x1024xf32, #tpu.memory_space<hbm>> -> memref<24x1024xf32, #tpu.memory_space<hbm>>
      %dma_wait3A_435 = arith.constant 0 : i32
      %dma_wait3A_436 = arith.constant 0 : i32
      %dma_wait3A_437 = tpu.memref_slice %arg4[%dma_wait3A_435, %dma_wait3A_436] : memref<1000x1024xf32, #tpu.memory_space<hbm>> -> memref<24x1024xf32, #tpu.memory_space<hbm>>
      tpu.wait_dma2 semaphore(%arg17 : memref<!tpu.dma_semaphore, #tpu.memory_space<semaphore_mem>>) src(%dma_wait3A_437 : memref<24x1024xf32, #tpu.memory_space<hbm>>) dst(%arg10 : memref<24x1024xf32, #tpu.memory_space<vmem>>)
      %jit3A_438 = arith.constant 2 : i32
      %div3A_439 = arith.divsi %add3A_425, %jit3A_438 : i32
      %sign3A_440 = arith.constant 0 : i32
      %sign3A_441 = arith.cmpi sgt, %add3A_425, %sign3A_440 : i32
      %sign3A_442 = arith.extui %sign3A_441 : i1 to i32
      %sign3A_443 = arith.constant 0 : i32
      %sign3A_444 = arith.cmpi slt, %add3A_425, %sign3A_443 : i32
      %sign3A_445 = arith.extui %sign3A_444 : i1 to i32
      %sign3A_446 = arith.subi %sign3A_442, %sign3A_445 : i32
      %sign3A_447 = arith.constant 0 : i32
      %sign3A_448 = arith.cmpi sgt, %jit3A_438, %sign3A_447 : i32
      %sign3A_449 = arith.extui %sign3A_448 : i1 to i32
      %sign3A_450 = arith.constant 0 : i32
      %sign3A_451 = arith.cmpi slt, %jit3A_438, %sign3A_450 : i32
      %sign3A_452 = arith.extui %sign3A_451 : i1 to i32
      %sign3A_453 = arith.subi %sign3A_449, %sign3A_452 : i32
      %ne3A_454 = arith.cmpi ne, %sign3A_446, %sign3A_453 : i32
      %rem3A_455 = arith.remsi %add3A_425, %jit3A_438 : i32
      %ne3A_456 = arith.constant 0 : i32
      %ne3A_457 = arith.cmpi ne, %rem3A_455, %ne3A_456 : i32
      %and3A_458 = arith.andi %ne3A_454, %ne3A_457 : i1
      %sub3A_459 = arith.constant 1 : i32
      %sub3A_460 = arith.subi %div3A_439, %sub3A_459 : i32
      %select_n3A_461 = arith.select %and3A_458, %sub3A_460, %div3A_439 : i32
      %add3A_462 = arith.addi %mul3A_2, %select_n3A_461 : i32
      %dma_start3A_463 = arith.constant 0 : i32
      %dma_start3A_464 = arith.constant 0 : i32
      %dma_start3A_465 = tpu.memref_slice %arg13[%dma_start3A_463, %dma_start3A_464] : memref<24x1024xf32, #tpu.memory_space<vmem>> -> memref<24x896xf32, #tpu.memory_space<vmem>>
      %dma_start3A_466 = arith.constant 24 : i32
      %dma_start3A_467 = arith.constant 0 : i32
      %dma_start3A_468 = tpu.memref_slice %arg5[%add3A_462, %dma_start3A_466, %dma_start3A_467] : memref<1024x50x1000xf32, #tpu.memory_space<hbm>> -> memref<1x24x896xf32, #tpu.memory_space<hbm>>
      %dma_start3A_469 = tpu.memref_squeeze %dma_start3A_468 : memref<1x24x896xf32, #tpu.memory_space<hbm>> -> memref<24x896xf32, #tpu.memory_space<hbm>>
      %dma_start3A_470 = arith.constant 24 : i32
      %dma_start3A_471 = arith.constant 0 : i32
      %dma_start3A_472 = tpu.memref_slice %arg5[%add3A_462, %dma_start3A_470, %dma_start3A_471] : memref<1024x50x1000xf32, #tpu.memory_space<hbm>> -> memref<1x24x896xf32, #tpu.memory_space<hbm>>
      %dma_start3A_473 = tpu.memref_squeeze %dma_start3A_472 : memref<1x24x896xf32, #tpu.memory_space<hbm>> -> memref<24x896xf32, #tpu.memory_space<hbm>>
      %dma_start3A_474 = arith.constant 0 : i32
      %dma_start3A_475 = arith.constant 0 : i32
      %dma_start3A_476 = tpu.memref_slice %arg13[%dma_start3A_474, %dma_start3A_475] : memref<24x1024xf32, #tpu.memory_space<vmem>> -> memref<24x896xf32, #tpu.memory_space<vmem>>
      tpu.enqueue_dma source(%dma_start3A_476 : memref<24x896xf32, #tpu.memory_space<vmem>>) target(%dma_start3A_473 : memref<24x896xf32, #tpu.memory_space<hbm>>) target_semaphore(%arg17 : memref<!tpu.dma_semaphore, #tpu.memory_space<semaphore_mem>>)
      %add3A_477 = arith.addi %mul3A_2, %select_n3A_461 : i32
      %dma_start3A_478 = arith.constant 0 : i32
      %dma_start3A_479 = arith.constant 896 : i32
      %dma_start3A_480 = tpu.memref_slice %arg13[%dma_start3A_478, %dma_start3A_479] : memref<24x1024xf32, #tpu.memory_space<vmem>> -> memref<24x128xf32, #tpu.memory_space<vmem>>
      %dma_start3A_481 = arith.constant 24 : i32
      %dma_start3A_482 = arith.constant 0 : i32
      %dma_start3A_483 = tpu.memref_slice %arg6[%add3A_477, %dma_start3A_481, %dma_start3A_482] : memref<1024x48x128xf32, #tpu.memory_space<hbm>> -> memref<1x24x128xf32, #tpu.memory_space<hbm>>
      %dma_start3A_484 = tpu.memref_squeeze %dma_start3A_483 : memref<1x24x128xf32, #tpu.memory_space<hbm>> -> memref<24x128xf32, #tpu.memory_space<hbm>>
      %dma_start3A_485 = arith.constant 24 : i32
      %dma_start3A_486 = arith.constant 0 : i32
      %dma_start3A_487 = tpu.memref_slice %arg6[%add3A_477, %dma_start3A_485, %dma_start3A_486] : memref<1024x48x128xf32, #tpu.memory_space<hbm>> -> memref<1x24x128xf32, #tpu.memory_space<hbm>>
      %dma_start3A_488 = tpu.memref_squeeze %dma_start3A_487 : memref<1x24x128xf32, #tpu.memory_space<hbm>> -> memref<24x128xf32, #tpu.memory_space<hbm>>
      %dma_start3A_489 = arith.constant 0 : i32
      %dma_start3A_490 = arith.constant 896 : i32
      %dma_start3A_491 = tpu.memref_slice %arg13[%dma_start3A_489, %dma_start3A_490] : memref<24x1024xf32, #tpu.memory_space<vmem>> -> memref<24x128xf32, #tpu.memory_space<vmem>>
      tpu.enqueue_dma source(%dma_start3A_491 : memref<24x128xf32, #tpu.memory_space<vmem>>) target(%dma_start3A_488 : memref<24x128xf32, #tpu.memory_space<hbm>>) target_semaphore(%arg17 : memref<!tpu.dma_semaphore, #tpu.memory_space<semaphore_mem>>)
      %add3A_492 = arith.constant 1 : i32
      %add3A_493 = arith.addi %scan3A_208, %add3A_492 : i32
      %lt3A_494 = arith.constant 16 : i32
      %lt3A_495 = arith.cmpi slt, %add3A_493, %lt3A_494 : i32
      %convert_element_type3A_496 = arith.extui %lt3A_495 : i1 to i32
      %cond3A_497 = arith.constant 0 : i32
      %cond3A_498 = arith.cmpi ne, %convert_element_type3A_496, %cond3A_497 : i32
      scf.if %cond3A_498 {
        %add3A_499 = arith.constant 2 : i32
        %add3A_500 = arith.addi %add3A_425, %add3A_499 : i32
        %mul3A_501 = arith.constant 24 : i32
        %mul3A_502 = arith.muli %add3A_500, %mul3A_501 : i32
        %dma_start3A_503 = tpu.memref_slice %arg8[%mul3A_502] : memref<1536xi32, #tpu.memory_space<vmem>> -> memref<24xi32, #tpu.memory_space<vmem>>
        %dma_start3A_504 = arith.constant 0 : i32
        %dma_start3A_505 = arith.constant 0 : i32
        %dma_start3A_506 = tpu.memref_slice %arg4[%dma_start3A_504, %dma_start3A_505] : memref<1000x1024xf32, #tpu.memory_space<hbm>> -> memref<1000x1024xf32, #tpu.memory_space<hbm>>
        tpu.enqueue_indirect_dma source(%dma_start3A_506 : memref<1000x1024xf32, #tpu.memory_space<hbm>>) target(%arg11 : memref<24x1024xf32, #tpu.memory_space<vmem>>) offsets(%dma_start3A_503 : memref<24xi32, #tpu.memory_space<vmem>>) semaphore(%arg16 : memref<!tpu.dma_semaphore, #tpu.memory_space<semaphore_mem>>)
      } else {
      }
    }
    %scan3A_20 = arith.constant 16 : i32
    %dma_wait3A = arith.constant 0 : i32
    %dma_wait3A_21 = arith.constant 0 : i32
    %dma_wait3A_22 = tpu.memref_slice %arg4[%dma_wait3A, %dma_wait3A_21] : memref<1000x1024xf32, #tpu.memory_space<hbm>> -> memref<24x1024xf32, #tpu.memory_space<hbm>>
    %dma_wait3A_23 = arith.constant 0 : i32
    %dma_wait3A_24 = arith.constant 0 : i32
    %dma_wait3A_25 = tpu.memref_slice %arg4[%dma_wait3A_23, %dma_wait3A_24] : memref<1000x1024xf32, #tpu.memory_space<hbm>> -> memref<24x1024xf32, #tpu.memory_space<hbm>>
    tpu.wait_dma2 semaphore(%arg17 : memref<!tpu.dma_semaphore, #tpu.memory_space<semaphore_mem>>) src(%dma_wait3A_25 : memref<24x1024xf32, #tpu.memory_space<hbm>>) dst(%arg10 : memref<24x1024xf32, #tpu.memory_space<vmem>>)
    %dma_wait3A_26 = arith.constant 0 : i32
    %dma_wait3A_27 = arith.constant 0 : i32
    %dma_wait3A_28 = tpu.memref_slice %arg4[%dma_wait3A_26, %dma_wait3A_27] : memref<1000x1024xf32, #tpu.memory_space<hbm>> -> memref<24x1024xf32, #tpu.memory_space<hbm>>
    %dma_wait3A_29 = arith.constant 0 : i32
    %dma_wait3A_30 = arith.constant 0 : i32
    %dma_wait3A_31 = tpu.memref_slice %arg4[%dma_wait3A_29, %dma_wait3A_30] : memref<1000x1024xf32, #tpu.memory_space<hbm>> -> memref<24x1024xf32, #tpu.memory_space<hbm>>
    tpu.wait_dma2 semaphore(%arg17 : memref<!tpu.dma_semaphore, #tpu.memory_space<semaphore_mem>>) src(%dma_wait3A_31 : memref<24x1024xf32, #tpu.memory_space<hbm>>) dst(%arg10 : memref<24x1024xf32, #tpu.memory_space<vmem>>)
    %dma_start3A_32 = arith.constant 0 : i32
    %dma_start3A_33 = tpu.memref_slice %arg9[%dma_start3A_32] : memref<64xi32, #tpu.memory_space<vmem>> -> memref<8xi32, #tpu.memory_space<vmem>>
    %dma_start3A_34 = arith.constant 0 : i32
    %dma_start3A_35 = arith.constant 0 : i32
    %dma_start3A_36 = tpu.memref_slice %arg4[%dma_start3A_34, %dma_start3A_35] : memref<1000x1024xf32, #tpu.memory_space<hbm>> -> memref<1000x1024xf32, #tpu.memory_space<hbm>>
    tpu.enqueue_indirect_dma source(%dma_start3A_36 : memref<1000x1024xf32, #tpu.memory_space<hbm>>) target(%arg14 : memref<8x1024xf32, #tpu.memory_space<vmem>>) offsets(%dma_start3A_33 : memref<8xi32, #tpu.memory_space<vmem>>) semaphore(%arg18 : memref<!tpu.dma_semaphore, #tpu.memory_space<semaphore_mem>>)
    %dma_wait3A_37 = arith.constant 0 : i32
    %dma_wait3A_38 = tpu.memref_slice %arg9[%dma_wait3A_37] : memref<64xi32, #tpu.memory_space<vmem>> -> memref<8xi32, #tpu.memory_space<vmem>>
    %dma_wait3A_39 = arith.constant 0 : i32
    %dma_wait3A_40 = arith.constant 0 : i32
    %dma_wait3A_41 = tpu.memref_slice %arg4[%dma_wait3A_39, %dma_wait3A_40] : memref<1000x1024xf32, #tpu.memory_space<hbm>> -> memref<1000x1024xf32, #tpu.memory_space<hbm>>
    tpu.wait_indirect_dma semaphore(%arg18 : memref<!tpu.dma_semaphore, #tpu.memory_space<semaphore_mem>>) src(%dma_wait3A_41 : memref<1000x1024xf32, #tpu.memory_space<hbm>>) dst(%arg14 : memref<8x1024xf32, #tpu.memory_space<vmem>>)
    %dma_start3A_42 = arith.constant 8 : i32
    %dma_start3A_43 = tpu.memref_slice %arg9[%dma_start3A_42] : memref<64xi32, #tpu.memory_space<vmem>> -> memref<8xi32, #tpu.memory_space<vmem>>
    %dma_start3A_44 = arith.constant 0 : i32
    %dma_start3A_45 = arith.constant 0 : i32
    %dma_start3A_46 = tpu.memref_slice %arg4[%dma_start3A_44, %dma_start3A_45] : memref<1000x1024xf32, #tpu.memory_space<hbm>> -> memref<1000x1024xf32, #tpu.memory_space<hbm>>
    tpu.enqueue_indirect_dma source(%dma_start3A_46 : memref<1000x1024xf32, #tpu.memory_space<hbm>>) target(%arg15 : memref<8x1024xf32, #tpu.memory_space<vmem>>) offsets(%dma_start3A_43 : memref<8xi32, #tpu.memory_space<vmem>>) semaphore(%arg18 : memref<!tpu.dma_semaphore, #tpu.memory_space<semaphore_mem>>)
    %mul3A_47 = arith.constant 64 : i32
    %mul3A_48 = arith.muli %add3A, %mul3A_47 : i32
    %add3A_49 = arith.constant 0 : i32
    %add3A_50 = arith.addi %mul3A_48, %add3A_49 : i32
    %dma_start3A_51 = arith.constant 0 : i32
    %dma_start3A_52 = tpu.memref_slice %arg7[%add3A_50, %dma_start3A_51] : memref<2048x1024xf32, #tpu.memory_space<hbm>> -> memref<8x1024xf32, #tpu.memory_space<hbm>>
    %dma_start3A_53 = arith.constant 0 : i32
    %dma_start3A_54 = tpu.memref_slice %arg7[%add3A_50, %dma_start3A_53] : memref<2048x1024xf32, #tpu.memory_space<hbm>> -> memref<8x1024xf32, #tpu.memory_space<hbm>>
    tpu.enqueue_dma source(%arg14 : memref<8x1024xf32, #tpu.memory_space<vmem>>) target(%dma_start3A_54 : memref<8x1024xf32, #tpu.memory_space<hbm>>) target_semaphore(%arg19 : memref<!tpu.dma_semaphore, #tpu.memory_space<semaphore_mem>>)
    %dma_wait3A_55 = arith.constant 8 : i32
    %dma_wait3A_56 = tpu.memref_slice %arg9[%dma_wait3A_55] : memref<64xi32, #tpu.memory_space<vmem>> -> memref<8xi32, #tpu.memory_space<vmem>>
    %dma_wait3A_57 = arith.constant 0 : i32
    %dma_wait3A_58 = arith.constant 0 : i32
    %dma_wait3A_59 = tpu.memref_slice %arg4[%dma_wait3A_57, %dma_wait3A_58] : memref<1000x1024xf32, #tpu.memory_space<hbm>> -> memref<1000x1024xf32, #tpu.memory_space<hbm>>
    tpu.wait_indirect_dma semaphore(%arg18 : memref<!tpu.dma_semaphore, #tpu.memory_space<semaphore_mem>>) src(%dma_wait3A_59 : memref<1000x1024xf32, #tpu.memory_space<hbm>>) dst(%arg15 : memref<8x1024xf32, #tpu.memory_space<vmem>>)
    %dma_wait3A_60 = arith.constant 0 : i32
    %dma_wait3A_61 = tpu.memref_slice %arg7[%add3A_50, %dma_wait3A_60] : memref<2048x1024xf32, #tpu.memory_space<hbm>> -> memref<8x1024xf32, #tpu.memory_space<hbm>>
    %dma_wait3A_62 = arith.constant 0 : i32
    %dma_wait3A_63 = tpu.memref_slice %arg7[%add3A_50, %dma_wait3A_62] : memref<2048x1024xf32, #tpu.memory_space<hbm>> -> memref<8x1024xf32, #tpu.memory_space<hbm>>
    tpu.wait_dma2 semaphore(%arg19 : memref<!tpu.dma_semaphore, #tpu.memory_space<semaphore_mem>>) src(%arg14 : memref<8x1024xf32, #tpu.memory_space<vmem>>) dst(%dma_wait3A_63 : memref<8x1024xf32, #tpu.memory_space<hbm>>)
    %dma_start3A_64 = arith.constant 16 : i32
    %dma_start3A_65 = tpu.memref_slice %arg9[%dma_start3A_64] : memref<64xi32, #tpu.memory_space<vmem>> -> memref<8xi32, #tpu.memory_space<vmem>>
    %dma_start3A_66 = arith.constant 0 : i32
    %dma_start3A_67 = arith.constant 0 : i32
    %dma_start3A_68 = tpu.memref_slice %arg4[%dma_start3A_66, %dma_start3A_67] : memref<1000x1024xf32, #tpu.memory_space<hbm>> -> memref<1000x1024xf32, #tpu.memory_space<hbm>>
    tpu.enqueue_indirect_dma source(%dma_start3A_68 : memref<1000x1024xf32, #tpu.memory_space<hbm>>) target(%arg14 : memref<8x1024xf32, #tpu.memory_space<vmem>>) offsets(%dma_start3A_65 : memref<8xi32, #tpu.memory_space<vmem>>) semaphore(%arg18 : memref<!tpu.dma_semaphore, #tpu.memory_space<semaphore_mem>>)
    %mul3A_69 = arith.constant 64 : i32
    %mul3A_70 = arith.muli %add3A, %mul3A_69 : i32
    %add3A_71 = arith.constant 8 : i32
    %add3A_72 = arith.addi %mul3A_70, %add3A_71 : i32
    %dma_start3A_73 = arith.constant 0 : i32
    %dma_start3A_74 = tpu.memref_slice %arg7[%add3A_72, %dma_start3A_73] : memref<2048x1024xf32, #tpu.memory_space<hbm>> -> memref<8x1024xf32, #tpu.memory_space<hbm>>
    %dma_start3A_75 = arith.constant 0 : i32
    %dma_start3A_76 = tpu.memref_slice %arg7[%add3A_72, %dma_start3A_75] : memref<2048x1024xf32, #tpu.memory_space<hbm>> -> memref<8x1024xf32, #tpu.memory_space<hbm>>
    tpu.enqueue_dma source(%arg15 : memref<8x1024xf32, #tpu.memory_space<vmem>>) target(%dma_start3A_76 : memref<8x1024xf32, #tpu.memory_space<hbm>>) target_semaphore(%arg19 : memref<!tpu.dma_semaphore, #tpu.memory_space<semaphore_mem>>)
    %dma_wait3A_77 = arith.constant 16 : i32
    %dma_wait3A_78 = tpu.memref_slice %arg9[%dma_wait3A_77] : memref<64xi32, #tpu.memory_space<vmem>> -> memref<8xi32, #tpu.memory_space<vmem>>
    %dma_wait3A_79 = arith.constant 0 : i32
    %dma_wait3A_80 = arith.constant 0 : i32
    %dma_wait3A_81 = tpu.memref_slice %arg4[%dma_wait3A_79, %dma_wait3A_80] : memref<1000x1024xf32, #tpu.memory_space<hbm>> -> memref<1000x1024xf32, #tpu.memory_space<hbm>>
    tpu.wait_indirect_dma semaphore(%arg18 : memref<!tpu.dma_semaphore, #tpu.memory_space<semaphore_mem>>) src(%dma_wait3A_81 : memref<1000x1024xf32, #tpu.memory_space<hbm>>) dst(%arg14 : memref<8x1024xf32, #tpu.memory_space<vmem>>)
    %dma_wait3A_82 = arith.constant 0 : i32
    %dma_wait3A_83 = tpu.memref_slice %arg7[%add3A_72, %dma_wait3A_82] : memref<2048x1024xf32, #tpu.memory_space<hbm>> -> memref<8x1024xf32, #tpu.memory_space<hbm>>
    %dma_wait3A_84 = arith.constant 0 : i32
    %dma_wait3A_85 = tpu.memref_slice %arg7[%add3A_72, %dma_wait3A_84] : memref<2048x1024xf32, #tpu.memory_space<hbm>> -> memref<8x1024xf32, #tpu.memory_space<hbm>>
    tpu.wait_dma2 semaphore(%arg19 : memref<!tpu.dma_semaphore, #tpu.memory_space<semaphore_mem>>) src(%arg15 : memref<8x1024xf32, #tpu.memory_space<vmem>>) dst(%dma_wait3A_85 : memref<8x1024xf32, #tpu.memory_space<hbm>>)
    %dma_start3A_86 = arith.constant 24 : i32
    %dma_start3A_87 = tpu.memref_slice %arg9[%dma_start3A_86] : memref<64xi32, #tpu.memory_space<vmem>> -> memref<8xi32, #tpu.memory_space<vmem>>
    %dma_start3A_88 = arith.constant 0 : i32
    %dma_start3A_89 = arith.constant 0 : i32
    %dma_start3A_90 = tpu.memref_slice %arg4[%dma_start3A_88, %dma_start3A_89] : memref<1000x1024xf32, #tpu.memory_space<hbm>> -> memref<1000x1024xf32, #tpu.memory_space<hbm>>
    tpu.enqueue_indirect_dma source(%dma_start3A_90 : memref<1000x1024xf32, #tpu.memory_space<hbm>>) target(%arg15 : memref<8x1024xf32, #tpu.memory_space<vmem>>) offsets(%dma_start3A_87 : memref<8xi32, #tpu.memory_space<vmem>>) semaphore(%arg18 : memref<!tpu.dma_semaphore, #tpu.memory_space<semaphore_mem>>)
    %mul3A_91 = arith.constant 64 : i32
    %mul3A_92 = arith.muli %add3A, %mul3A_91 : i32
    %add3A_93 = arith.constant 16 : i32
    %add3A_94 = arith.addi %mul3A_92, %add3A_93 : i32
    %dma_start3A_95 = arith.constant 0 : i32
    %dma_start3A_96 = tpu.memref_slice %arg7[%add3A_94, %dma_start3A_95] : memref<2048x1024xf32, #tpu.memory_space<hbm>> -> memref<8x1024xf32, #tpu.memory_space<hbm>>
    %dma_start3A_97 = arith.constant 0 : i32
    %dma_start3A_98 = tpu.memref_slice %arg7[%add3A_94, %dma_start3A_97] : memref<2048x1024xf32, #tpu.memory_space<hbm>> -> memref<8x1024xf32, #tpu.memory_space<hbm>>
    tpu.enqueue_dma source(%arg14 : memref<8x1024xf32, #tpu.memory_space<vmem>>) target(%dma_start3A_98 : memref<8x1024xf32, #tpu.memory_space<hbm>>) target_semaphore(%arg19 : memref<!tpu.dma_semaphore, #tpu.memory_space<semaphore_mem>>)
    %dma_wait3A_99 = arith.constant 24 : i32
    %dma_wait3A_100 = tpu.memref_slice %arg9[%dma_wait3A_99] : memref<64xi32, #tpu.memory_space<vmem>> -> memref<8xi32, #tpu.memory_space<vmem>>
    %dma_wait3A_101 = arith.constant 0 : i32
    %dma_wait3A_102 = arith.constant 0 : i32
    %dma_wait3A_103 = tpu.memref_slice %arg4[%dma_wait3A_101, %dma_wait3A_102] : memref<1000x1024xf32, #tpu.memory_space<hbm>> -> memref<1000x1024xf32, #tpu.memory_space<hbm>>
    tpu.wait_indirect_dma semaphore(%arg18 : memref<!tpu.dma_semaphore, #tpu.memory_space<semaphore_mem>>) src(%dma_wait3A_103 : memref<1000x1024xf32, #tpu.memory_space<hbm>>) dst(%arg15 : memref<8x1024xf32, #tpu.memory_space<vmem>>)
    %dma_wait3A_104 = arith.constant 0 : i32
    %dma_wait3A_105 = tpu.memref_slice %arg7[%add3A_94, %dma_wait3A_104] : memref<2048x1024xf32, #tpu.memory_space<hbm>> -> memref<8x1024xf32, #tpu.memory_space<hbm>>
    %dma_wait3A_106 = arith.constant 0 : i32
    %dma_wait3A_107 = tpu.memref_slice %arg7[%add3A_94, %dma_wait3A_106] : memref<2048x1024xf32, #tpu.memory_space<hbm>> -> memref<8x1024xf32, #tpu.memory_space<hbm>>
    tpu.wait_dma2 semaphore(%arg19 : memref<!tpu.dma_semaphore, #tpu.memory_space<semaphore_mem>>) src(%arg14 : memref<8x1024xf32, #tpu.memory_space<vmem>>) dst(%dma_wait3A_107 : memref<8x1024xf32, #tpu.memory_space<hbm>>)
    %dma_start3A_108 = arith.constant 32 : i32
    %dma_start3A_109 = tpu.memref_slice %arg9[%dma_start3A_108] : memref<64xi32, #tpu.memory_space<vmem>> -> memref<8xi32, #tpu.memory_space<vmem>>
    %dma_start3A_110 = arith.constant 0 : i32
    %dma_start3A_111 = arith.constant 0 : i32
    %dma_start3A_112 = tpu.memref_slice %arg4[%dma_start3A_110, %dma_start3A_111] : memref<1000x1024xf32, #tpu.memory_space<hbm>> -> memref<1000x1024xf32, #tpu.memory_space<hbm>>
    tpu.enqueue_indirect_dma source(%dma_start3A_112 : memref<1000x1024xf32, #tpu.memory_space<hbm>>) target(%arg14 : memref<8x1024xf32, #tpu.memory_space<vmem>>) offsets(%dma_start3A_109 : memref<8xi32, #tpu.memory_space<vmem>>) semaphore(%arg18 : memref<!tpu.dma_semaphore, #tpu.memory_space<semaphore_mem>>)
    %mul3A_113 = arith.constant 64 : i32
    %mul3A_114 = arith.muli %add3A, %mul3A_113 : i32
    %add3A_115 = arith.constant 24 : i32
    %add3A_116 = arith.addi %mul3A_114, %add3A_115 : i32
    %dma_start3A_117 = arith.constant 0 : i32
    %dma_start3A_118 = tpu.memref_slice %arg7[%add3A_116, %dma_start3A_117] : memref<2048x1024xf32, #tpu.memory_space<hbm>> -> memref<8x1024xf32, #tpu.memory_space<hbm>>
    %dma_start3A_119 = arith.constant 0 : i32
    %dma_start3A_120 = tpu.memref_slice %arg7[%add3A_116, %dma_start3A_119] : memref<2048x1024xf32, #tpu.memory_space<hbm>> -> memref<8x1024xf32, #tpu.memory_space<hbm>>
    tpu.enqueue_dma source(%arg15 : memref<8x1024xf32, #tpu.memory_space<vmem>>) target(%dma_start3A_120 : memref<8x1024xf32, #tpu.memory_space<hbm>>) target_semaphore(%arg19 : memref<!tpu.dma_semaphore, #tpu.memory_space<semaphore_mem>>)
    %dma_wait3A_121 = arith.constant 32 : i32
    %dma_wait3A_122 = tpu.memref_slice %arg9[%dma_wait3A_121] : memref<64xi32, #tpu.memory_space<vmem>> -> memref<8xi32, #tpu.memory_space<vmem>>
    %dma_wait3A_123 = arith.constant 0 : i32
    %dma_wait3A_124 = arith.constant 0 : i32
    %dma_wait3A_125 = tpu.memref_slice %arg4[%dma_wait3A_123, %dma_wait3A_124] : memref<1000x1024xf32, #tpu.memory_space<hbm>> -> memref<1000x1024xf32, #tpu.memory_space<hbm>>
    tpu.wait_indirect_dma semaphore(%arg18 : memref<!tpu.dma_semaphore, #tpu.memory_space<semaphore_mem>>) src(%dma_wait3A_125 : memref<1000x1024xf32, #tpu.memory_space<hbm>>) dst(%arg14 : memref<8x1024xf32, #tpu.memory_space<vmem>>)
    %dma_wait3A_126 = arith.constant 0 : i32
    %dma_wait3A_127 = tpu.memref_slice %arg7[%add3A_116, %dma_wait3A_126] : memref<2048x1024xf32, #tpu.memory_space<hbm>> -> memref<8x1024xf32, #tpu.memory_space<hbm>>
    %dma_wait3A_128 = arith.constant 0 : i32
    %dma_wait3A_129 = tpu.memref_slice %arg7[%add3A_116, %dma_wait3A_128] : memref<2048x1024xf32, #tpu.memory_space<hbm>> -> memref<8x1024xf32, #tpu.memory_space<hbm>>
    tpu.wait_dma2 semaphore(%arg19 : memref<!tpu.dma_semaphore, #tpu.memory_space<semaphore_mem>>) src(%arg15 : memref<8x1024xf32, #tpu.memory_space<vmem>>) dst(%dma_wait3A_129 : memref<8x1024xf32, #tpu.memory_space<hbm>>)
    %dma_start3A_130 = arith.constant 40 : i32
    %dma_start3A_131 = tpu.memref_slice %arg9[%dma_start3A_130] : memref<64xi32, #tpu.memory_space<vmem>> -> memref<8xi32, #tpu.memory_space<vmem>>
    %dma_start3A_132 = arith.constant 0 : i32
    %dma_start3A_133 = arith.constant 0 : i32
    %dma_start3A_134 = tpu.memref_slice %arg4[%dma_start3A_132, %dma_start3A_133] : memref<1000x1024xf32, #tpu.memory_space<hbm>> -> memref<1000x1024xf32, #tpu.memory_space<hbm>>
    tpu.enqueue_indirect_dma source(%dma_start3A_134 : memref<1000x1024xf32, #tpu.memory_space<hbm>>) target(%arg15 : memref<8x1024xf32, #tpu.memory_space<vmem>>) offsets(%dma_start3A_131 : memref<8xi32, #tpu.memory_space<vmem>>) semaphore(%arg18 : memref<!tpu.dma_semaphore, #tpu.memory_space<semaphore_mem>>)
    %mul3A_135 = arith.constant 64 : i32
    %mul3A_136 = arith.muli %add3A, %mul3A_135 : i32
    %add3A_137 = arith.constant 32 : i32
    %add3A_138 = arith.addi %mul3A_136, %add3A_137 : i32
    %dma_start3A_139 = arith.constant 0 : i32
    %dma_start3A_140 = tpu.memref_slice %arg7[%add3A_138, %dma_start3A_139] : memref<2048x1024xf32, #tpu.memory_space<hbm>> -> memref<8x1024xf32, #tpu.memory_space<hbm>>
    %dma_start3A_141 = arith.constant 0 : i32
    %dma_start3A_142 = tpu.memref_slice %arg7[%add3A_138, %dma_start3A_141] : memref<2048x1024xf32, #tpu.memory_space<hbm>> -> memref<8x1024xf32, #tpu.memory_space<hbm>>
    tpu.enqueue_dma source(%arg14 : memref<8x1024xf32, #tpu.memory_space<vmem>>) target(%dma_start3A_142 : memref<8x1024xf32, #tpu.memory_space<hbm>>) target_semaphore(%arg19 : memref<!tpu.dma_semaphore, #tpu.memory_space<semaphore_mem>>)
    %dma_wait3A_143 = arith.constant 40 : i32
    %dma_wait3A_144 = tpu.memref_slice %arg9[%dma_wait3A_143] : memref<64xi32, #tpu.memory_space<vmem>> -> memref<8xi32, #tpu.memory_space<vmem>>
    %dma_wait3A_145 = arith.constant 0 : i32
    %dma_wait3A_146 = arith.constant 0 : i32
    %dma_wait3A_147 = tpu.memref_slice %arg4[%dma_wait3A_145, %dma_wait3A_146] : memref<1000x1024xf32, #tpu.memory_space<hbm>> -> memref<1000x1024xf32, #tpu.memory_space<hbm>>
    tpu.wait_indirect_dma semaphore(%arg18 : memref<!tpu.dma_semaphore, #tpu.memory_space<semaphore_mem>>) src(%dma_wait3A_147 : memref<1000x1024xf32, #tpu.memory_space<hbm>>) dst(%arg15 : memref<8x1024xf32, #tpu.memory_space<vmem>>)
    %dma_wait3A_148 = arith.constant 0 : i32
    %dma_wait3A_149 = tpu.memref_slice %arg7[%add3A_138, %dma_wait3A_148] : memref<2048x1024xf32, #tpu.memory_space<hbm>> -> memref<8x1024xf32, #tpu.memory_space<hbm>>
    %dma_wait3A_150 = arith.constant 0 : i32
    %dma_wait3A_151 = tpu.memref_slice %arg7[%add3A_138, %dma_wait3A_150] : memref<2048x1024xf32, #tpu.memory_space<hbm>> -> memref<8x1024xf32, #tpu.memory_space<hbm>>
    tpu.wait_dma2 semaphore(%arg19 : memref<!tpu.dma_semaphore, #tpu.memory_space<semaphore_mem>>) src(%arg14 : memref<8x1024xf32, #tpu.memory_space<vmem>>) dst(%dma_wait3A_151 : memref<8x1024xf32, #tpu.memory_space<hbm>>)
    %dma_start3A_152 = arith.constant 48 : i32
    %dma_start3A_153 = tpu.memref_slice %arg9[%dma_start3A_152] : memref<64xi32, #tpu.memory_space<vmem>> -> memref<8xi32, #tpu.memory_space<vmem>>
    %dma_start3A_154 = arith.constant 0 : i32
    %dma_start3A_155 = arith.constant 0 : i32
    %dma_start3A_156 = tpu.memref_slice %arg4[%dma_start3A_154, %dma_start3A_155] : memref<1000x1024xf32, #tpu.memory_space<hbm>> -> memref<1000x1024xf32, #tpu.memory_space<hbm>>
    tpu.enqueue_indirect_dma source(%dma_start3A_156 : memref<1000x1024xf32, #tpu.memory_space<hbm>>) target(%arg14 : memref<8x1024xf32, #tpu.memory_space<vmem>>) offsets(%dma_start3A_153 : memref<8xi32, #tpu.memory_space<vmem>>) semaphore(%arg18 : memref<!tpu.dma_semaphore, #tpu.memory_space<semaphore_mem>>)
    %mul3A_157 = arith.constant 64 : i32
    %mul3A_158 = arith.muli %add3A, %mul3A_157 : i32
    %add3A_159 = arith.constant 40 : i32
    %add3A_160 = arith.addi %mul3A_158, %add3A_159 : i32
    %dma_start3A_161 = arith.constant 0 : i32
    %dma_start3A_162 = tpu.memref_slice %arg7[%add3A_160, %dma_start3A_161] : memref<2048x1024xf32, #tpu.memory_space<hbm>> -> memref<8x1024xf32, #tpu.memory_space<hbm>>
    %dma_start3A_163 = arith.constant 0 : i32
    %dma_start3A_164 = tpu.memref_slice %arg7[%add3A_160, %dma_start3A_163] : memref<2048x1024xf32, #tpu.memory_space<hbm>> -> memref<8x1024xf32, #tpu.memory_space<hbm>>
    tpu.enqueue_dma source(%arg15 : memref<8x1024xf32, #tpu.memory_space<vmem>>) target(%dma_start3A_164 : memref<8x1024xf32, #tpu.memory_space<hbm>>) target_semaphore(%arg19 : memref<!tpu.dma_semaphore, #tpu.memory_space<semaphore_mem>>)
    %dma_wait3A_165 = arith.constant 48 : i32
    %dma_wait3A_166 = tpu.memref_slice %arg9[%dma_wait3A_165] : memref<64xi32, #tpu.memory_space<vmem>> -> memref<8xi32, #tpu.memory_space<vmem>>
    %dma_wait3A_167 = arith.constant 0 : i32
    %dma_wait3A_168 = arith.constant 0 : i32
    %dma_wait3A_169 = tpu.memref_slice %arg4[%dma_wait3A_167, %dma_wait3A_168] : memref<1000x1024xf32, #tpu.memory_space<hbm>> -> memref<1000x1024xf32, #tpu.memory_space<hbm>>
    tpu.wait_indirect_dma semaphore(%arg18 : memref<!tpu.dma_semaphore, #tpu.memory_space<semaphore_mem>>) src(%dma_wait3A_169 : memref<1000x1024xf32, #tpu.memory_space<hbm>>) dst(%arg14 : memref<8x1024xf32, #tpu.memory_space<vmem>>)
    %dma_wait3A_170 = arith.constant 0 : i32
    %dma_wait3A_171 = tpu.memref_slice %arg7[%add3A_160, %dma_wait3A_170] : memref<2048x1024xf32, #tpu.memory_space<hbm>> -> memref<8x1024xf32, #tpu.memory_space<hbm>>
    %dma_wait3A_172 = arith.constant 0 : i32
    %dma_wait3A_173 = tpu.memref_slice %arg7[%add3A_160, %dma_wait3A_172] : memref<2048x1024xf32, #tpu.memory_space<hbm>> -> memref<8x1024xf32, #tpu.memory_space<hbm>>
    tpu.wait_dma2 semaphore(%arg19 : memref<!tpu.dma_semaphore, #tpu.memory_space<semaphore_mem>>) src(%arg15 : memref<8x1024xf32, #tpu.memory_space<vmem>>) dst(%dma_wait3A_173 : memref<8x1024xf32, #tpu.memory_space<hbm>>)
    %dma_start3A_174 = arith.constant 56 : i32
    %dma_start3A_175 = tpu.memref_slice %arg9[%dma_start3A_174] : memref<64xi32, #tpu.memory_space<vmem>> -> memref<8xi32, #tpu.memory_space<vmem>>
    %dma_start3A_176 = arith.constant 0 : i32
    %dma_start3A_177 = arith.constant 0 : i32
    %dma_start3A_178 = tpu.memref_slice %arg4[%dma_start3A_176, %dma_start3A_177] : memref<1000x1024xf32, #tpu.memory_space<hbm>> -> memref<1000x1024xf32, #tpu.memory_space<hbm>>
    tpu.enqueue_indirect_dma source(%dma_start3A_178 : memref<1000x1024xf32, #tpu.memory_space<hbm>>) target(%arg15 : memref<8x1024xf32, #tpu.memory_space<vmem>>) offsets(%dma_start3A_175 : memref<8xi32, #tpu.memory_space<vmem>>) semaphore(%arg18 : memref<!tpu.dma_semaphore, #tpu.memory_space<semaphore_mem>>)
    %mul3A_179 = arith.constant 64 : i32
    %mul3A_180 = arith.muli %add3A, %mul3A_179 : i32
    %add3A_181 = arith.constant 48 : i32
    %add3A_182 = arith.addi %mul3A_180, %add3A_181 : i32
    %dma_start3A_183 = arith.constant 0 : i32
    %dma_start3A_184 = tpu.memref_slice %arg7[%add3A_182, %dma_start3A_183] : memref<2048x1024xf32, #tpu.memory_space<hbm>> -> memref<8x1024xf32, #tpu.memory_space<hbm>>
    %dma_start3A_185 = arith.constant 0 : i32
    %dma_start3A_186 = tpu.memref_slice %arg7[%add3A_182, %dma_start3A_185] : memref<2048x1024xf32, #tpu.memory_space<hbm>> -> memref<8x1024xf32, #tpu.memory_space<hbm>>
    tpu.enqueue_dma source(%arg14 : memref<8x1024xf32, #tpu.memory_space<vmem>>) target(%dma_start3A_186 : memref<8x1024xf32, #tpu.memory_space<hbm>>) target_semaphore(%arg19 : memref<!tpu.dma_semaphore, #tpu.memory_space<semaphore_mem>>)
    %dma_wait3A_187 = arith.constant 56 : i32
    %dma_wait3A_188 = tpu.memref_slice %arg9[%dma_wait3A_187] : memref<64xi32, #tpu.memory_space<vmem>> -> memref<8xi32, #tpu.memory_space<vmem>>
    %dma_wait3A_189 = arith.constant 0 : i32
    %dma_wait3A_190 = arith.constant 0 : i32
    %dma_wait3A_191 = tpu.memref_slice %arg4[%dma_wait3A_189, %dma_wait3A_190] : memref<1000x1024xf32, #tpu.memory_space<hbm>> -> memref<1000x1024xf32, #tpu.memory_space<hbm>>
    tpu.wait_indirect_dma semaphore(%arg18 : memref<!tpu.dma_semaphore, #tpu.memory_space<semaphore_mem>>) src(%dma_wait3A_191 : memref<1000x1024xf32, #tpu.memory_space<hbm>>) dst(%arg15 : memref<8x1024xf32, #tpu.memory_space<vmem>>)
    %dma_wait3A_192 = arith.constant 0 : i32
    %dma_wait3A_193 = tpu.memref_slice %arg7[%add3A_182, %dma_wait3A_192] : memref<2048x1024xf32, #tpu.memory_space<hbm>> -> memref<8x1024xf32, #tpu.memory_space<hbm>>
    %dma_wait3A_194 = arith.constant 0 : i32
    %dma_wait3A_195 = tpu.memref_slice %arg7[%add3A_182, %dma_wait3A_194] : memref<2048x1024xf32, #tpu.memory_space<hbm>> -> memref<8x1024xf32, #tpu.memory_space<hbm>>
    tpu.wait_dma2 semaphore(%arg19 : memref<!tpu.dma_semaphore, #tpu.memory_space<semaphore_mem>>) src(%arg14 : memref<8x1024xf32, #tpu.memory_space<vmem>>) dst(%dma_wait3A_195 : memref<8x1024xf32, #tpu.memory_space<hbm>>)
    %mul3A_196 = arith.constant 64 : i32
    %mul3A_197 = arith.muli %add3A, %mul3A_196 : i32
    %add3A_198 = arith.constant 56 : i32
    %add3A_199 = arith.addi %mul3A_197, %add3A_198 : i32
    %dma_start3A_200 = arith.constant 0 : i32
    %dma_start3A_201 = tpu.memref_slice %arg7[%add3A_199, %dma_start3A_200] : memref<2048x1024xf32, #tpu.memory_space<hbm>> -> memref<8x1024xf32, #tpu.memory_space<hbm>>
    %dma_start3A_202 = arith.constant 0 : i32
    %dma_start3A_203 = tpu.memref_slice %arg7[%add3A_199, %dma_start3A_202] : memref<2048x1024xf32, #tpu.memory_space<hbm>> -> memref<8x1024xf32, #tpu.memory_space<hbm>>
    tpu.enqueue_dma source(%arg15 : memref<8x1024xf32, #tpu.memory_space<vmem>>) target(%dma_start3A_203 : memref<8x1024xf32, #tpu.memory_space<hbm>>) target_semaphore(%arg19 : memref<!tpu.dma_semaphore, #tpu.memory_space<semaphore_mem>>)
    %dma_wait3A_204 = arith.constant 0 : i32
    %dma_wait3A_205 = tpu.memref_slice %arg7[%add3A_199, %dma_wait3A_204] : memref<2048x1024xf32, #tpu.memory_space<hbm>> -> memref<8x1024xf32, #tpu.memory_space<hbm>>
    %dma_wait3A_206 = arith.constant 0 : i32
    %dma_wait3A_207 = tpu.memref_slice %arg7[%add3A_199, %dma_wait3A_206] : memref<2048x1024xf32, #tpu.memory_space<hbm>> -> memref<8x1024xf32, #tpu.memory_space<hbm>>
    tpu.wait_dma2 semaphore(%arg19 : memref<!tpu.dma_semaphore, #tpu.memory_space<semaphore_mem>>) src(%arg15 : memref<8x1024xf32, #tpu.memory_space<vmem>>) dst(%dma_wait3A_207 : memref<8x1024xf32, #tpu.memory_space<hbm>>)
    return
  }
}

</mosaic_0001>

<sc_bundles>
// kernel: kernel.3.cloned.1.call-start
scs
__scs_entry_jumppad:
0x0: {  	(pc) =	sbr.rel $0x88, $3  }
0x1: {  	(tag) =	ssettag $0x0;
	lr =	simm.s32 $0x1  }
0x2: {  	[smem:$0x3F9F] =	sst lr;
	_ =	strace $0xD0000000  }
0x3: {  	_ = 	snop  }
0x4: {  	_ = 	snop  }
0x5: {  	_ = 	snop  }
0x6: {  	_ = 	snop  }
0x7: {  	_ = 	snop  }
__scs_overlays_trampoline_lowered:
0x8: {  	[smem:$0x3FAE] =	sst s0  }
0x9: {  	[smem:$0x3FAF] =	sst s1  }
0xa: {  	[smem:$0x3FB0] =	sst s2  }
0xb: {  	[smem:$0x3FB1] =	sst s3  }
0xc: {  	[smem:$0x3FB2] =	sst s4  }
0xd: {  	[smem:$0x3FB3] =	sst s5  }
0xe: {  	[smem:$0x3FB4] =	sst s6  }
0xf: {  	[smem:$0x3FB5] =	sst s7  }
0x10: {  	[smem:$0x3FB6] =	sst s8  }
0x11: {  	[smem:$0x3FB7] =	sst s9;
	s0 =	simm.s32 @!p0 $0x0  }
0x12: {  	s1 =	sld [smem:$0x3F9D];
	s0 =	simm.s32 @p0 $0x1  }
0x13: {  	[smem:$0x3FB8] =	sst s0;
	s0 =	simm.s32 @!p1 $0x0  }
0x14: {  	s2 =	sld [smem:$0x3F9C];
	s0 =	simm.s32 @p1 $0x1  }
0x15: {  	[smem:$0x3FB9] =	sst s0;
	s0 =	simm.s32 @!p2 $0x0  }
0x16: {  	s3 =	sld [smem:$0x3FDB];
	s0 =	simm.s32 @p2 $0x1  }
0x17: {  	s4 =	simm.s32 $0x1BF5;
	[smem:$0x3FBB] =	sst s0  }
0x18: {  	s0 =	sld [smem:$0x3F9E];
	_ =	swait.ge [sflag:s4], $0x0  }
0x19: {  	s7 =	sld [smem:$0x3F9F]  }
0x1a: {  	s8 =	sadd.s32 $0xFFFFE003, lr  }
0x1b: {  	s9 =	sadd.s32 $0xFFFFFEF7, lr;
	s5 =	simm.s32 $0xFFFFFFFF;
	p2 =	slt.u32 s8, $0xFFFFF086  }
0x1c: {  	p1 =	slt.u32 s9, $0xF7A;
	s5 =	simm.s32 @!p2 $0x0  }
0x1d: {  	s5 =	simm.s32 @p1 $0x1;
	p0 =	seq.s32 s7, s2  }
0x1e: {  	s7 =	smul.u32 @!p0 $0xF7A, s2;
	p2 =	seq.s32 @!p0 s5, $0x0  }
0x1f: {  	s9 =	smul.u32 $0xF7A, s1;
	s8 =	simm.s32 @!p0 $0x1BF5;
	p2 =	por !p2, p0  }
0x20: {  	[sflag:s8] =	ssyncset.s32 @!p0 $0xFFFFF086;
	s6 =	sadd.s32 @!p0 s3, s7;
	s7 =	simm.s32 @!p0 $0x108  }
0x21: {  	s3 =	sadd.s32 s3, s9;
	s6 =	sadd.s32 @!p0 $0x88, s6;
	s7 =	simm.s32 @p2 $0x1082  }
0x22: {  	[simem:s7], [sflag:s8] =	dma.local @!p0 [hbm:s6], $0xF7A  }
0x23: {  	s9 =	sor.u32 $0xD0000000, s2;
	s6 =	simm.s32 $0x108;
	_ =	swait.ge @!p0 [sflag:s8], $0x0  }
0x24: {  	s3 =	sadd.s32 $0x88, s3;
	s6 =	simm.s32 @!p1 $0x1082;
	[sflag:s4] =	ssyncset.s32 $0xFFFFF086  }
0x25: {  	[simem:s6], [sflag:s4] =	dma.local [hbm:s3], $0xF7A  }
0x26: {  	[smem:$0x3F9F] =	sst s1;
	(tag) =	ssettag s2;
	_ =	strace s9  }
0x27: {  	s1 =	sld [smem:$0x3FAF]  }
0x28: {  	s2 =	sld [smem:$0x3FB0]  }
0x29: {  	s4 =	sld [smem:$0x3FB2]  }
0x2a: {  	p0 =	seq.s32 s5, $0x0;
	s5 =	sld [smem:$0x3FB3]  }
0x2b: {  	s6 =	sld [smem:$0x3FB4]  }
0x2c: {  	s7 =	sld [smem:$0x3FB5]  }
0x2d: {  	s3 =	simm.s32 $0x108;
	s8 =	sld [smem:$0x3FB6]  }
0x2e: {  	s3 =	simm.s32 @!p0 $0x1082;
	s9 =	sld [smem:$0x3FB7]  }
0x2f: {  	lr =	sadd.s32 s0, s3;
	s0 =	sld [smem:$0x3FAE]  }
0x30: {  	s3 =	sld [smem:$0x3FB1]  }
0x31: {  	[smem:$0x3FBA] =	sst s10  }
0x32: {  	s10 =	sld [smem:$0x3FB8];
	_ =	sdelay $0x3  }
0x33: {  	p0 =	seq.s32 s10, $0x1;
	s10 =	sld [smem:$0x3FBA];
	_ =	sdelay $0x3  }
0x34: {  	[smem:$0x3FBA] =	sst s10  }
0x35: {  	s10 =	sld [smem:$0x3FB9];
	_ =	sdelay $0x3  }
0x36: {  	p1 =	seq.s32 s10, $0x1;
	s10 =	sld [smem:$0x3FBA];
	_ =	sdelay $0x3  }
0x37: {  	[smem:$0x3FBA] =	sst s10  }
0x38: {  	s10 =	sld [smem:$0x3FBB]  }
0x39: {  	_ = 	snop;
	(pc) =	sbr.ind lr, $3  }
0x3a: {  	_ = 	snop  }
0x3b: {  	_ = 	snop  }
0x3c: {  	p2 =	seq.s32 s10, $0x1;
	s10 =	sld [smem:$0x3FBA]  }
0x3d: {  	_ =	shalt  }
0x3e: {  	_ =	shalt  }
0x3f: {  	_ =	shalt  }
0x40: {  	_ =	shalt  }
0x41: {  	_ =	shalt  }
0x42: {  	_ =	shalt  }
0x43: {  	_ =	shalt  }
0x44: {  	_ =	shalt  }
0x45: {  	_ =	shalt  }
0x46: {  	_ =	shalt  }
0x47: {  	_ =	shalt  }
0x48: {  	_ =	shalt  }
0x49: {  	_ =	shalt  }
0x4a: {  	_ =	shalt  }
0x4b: {  	_ =	shalt  }
0x4c: {  	_ =	shalt  }
0x4d: {  	_ =	shalt  }
0x4e: {  	_ =	shalt  }
0x4f: {  	_ =	shalt  }
0x50: {  	_ =	shalt  }
0x51: {  	_ =	shalt  }
0x52: {  	_ =	shalt  }
0x53: {  	_ =	shalt  }
0x54: {  	_ =	shalt  }
0x55: {  	_ =	shalt  }
0x56: {  	_ =	shalt  }
0x57: {  	_ =	shalt  }
0x58: {  	_ =	shalt  }
0x59: {  	_ =	shalt  }
0x5a: {  	_ =	shalt  }
0x5b: {  	_ =	shalt  }
0x5c: {  	_ =	shalt  }
0x5d: {  	_ =	shalt  }
0x5e: {  	_ =	shalt  }
0x5f: {  	_ =	shalt  }
0x60: {  	_ =	shalt  }
0x61: {  	_ =	shalt  }
0x62: {  	_ =	shalt  }
0x63: {  	_ =	shalt  }
0x64: {  	_ =	shalt  }
0x65: {  	_ =	shalt  }
0x66: {  	_ =	shalt  }
0x67: {  	_ =	shalt  }
0x68: {  	_ =	shalt  }
0x69: {  	_ =	shalt  }
0x6a: {  	_ =	shalt  }
0x6b: {  	_ =	shalt  }
0x6c: {  	_ =	shalt  }
0x6d: {  	_ =	shalt  }
0x6e: {  	_ =	shalt  }
0x6f: {  	_ =	shalt  }
0x70: {  	_ =	shalt  }
0x71: {  	_ =	shalt  }
0x72: {  	_ =	shalt  }
0x73: {  	_ =	shalt  }
0x74: {  	_ =	shalt  }
0x75: {  	_ =	shalt  }
0x76: {  	_ =	shalt  }
0x77: {  	_ =	shalt  }
0x78: {  	_ =	shalt  }
0x79: {  	_ =	shalt  }
0x7a: {  	_ =	shalt  }
0x7b: {  	_ =	shalt  }
0x7c: {  	_ =	shalt  }
0x7d: {  	_ =	shalt  }
0x7e: {  	_ =	shalt  }
0x7f: {  	_ =	shalt  }
0x80: {  	_ =	shalt  }
0x81: {  	_ =	shalt  }
0x82: {  	_ =	shalt  }
0x83: {  	_ =	shalt  }
0x84: {  	_ =	shalt  }
0x85: {  	_ =	shalt  }
0x86: {  	_ =	shalt  }
0x87: {  	_ =	shalt  }
.Lfunc_end0:
.L_simem_size_0:
called_computation.1_lowered:
.L_overlay_start_0:
0x88: {  	s2 =	sld [smem:$0x3FD9]  }
0x89: {  	s3 =	sld [smem:$0x3FFE];
	_ =	sdelay $0x1  }
0x8a: {  	s1 =	srdreg.scid  }
0x8b: {  	s0 =	sand.u32 $0x1, s1  }
0x8c: {  	s17 =	sshll.u32 s0, $0xA;
	s2 =	sadd.s32 s3, s2  }
0x8d: {  	s2 =	sadd.s32 s2, s17  }
0x8e: {  	[smem:$0x3FC6] =	sst s2  }
0x8f: {  	_ = 	snop  }
0x90: {  	s2 =	sld [smem:$0x3FD0];
	(tm) =	ssettm $0x1  }
0x91: {  	s18 =	sld [smem:$0x3FFB];
	_ =	sdelay $0x3  }
0x92: {  	_ =	strace s18  }
0x93: {  	s3 =	sld [smem:$0x3FFC];
	_ =	sdelay $0x3  }
0x94: {  	_ =	strace s3  }
0x95: {  	s3 =	sld [smem:$0x3FFD];
	_ =	sdelay $0x3  }
0x96: {  	_ =	strace s3  }
0x97: {  	_ =	strace $0x8FFFFFFF  }
0x98: {  	s19 =	sld [smem:$0x3FDB];
	_ =	sdelay $0x1  }
0x99: {  	s4 =	simm.s32 $_scs_section_size  }
0x9a: {  	s5 =	simm.s32 $_size__tile_overlayer_lowered;
	s6 =	simm.s32 $_tile_overlayer_lowered  }
0x9b: {  	s22 =	simm.s32 $0x1BFF;
	s21 =	sshll.u32 s6, $0x1;
	s3 =	sadd.s32 s4, s19  }
0x9c: {  	s7 =	simm.s32 $0x0;
	s20 =	sshll.u32 s5, $0x1;
	s5 =	sadd.s32 s21, s3  }
0x9d: {  	[timem:s7], [sflag:s22] =	dma.local [hbm:s5], s20  }
0x9e: {  	_ =	swait.ge [sflag:s22], s20  }
0x9f: {  	s4 =	ssub.s32 $0x0, s20;
	[sflag:s22] =	ssyncset.done $0x0  }
0xa0: {  	[sflag:s22] =	ssyncadd.s32 s4;
	_ =	sdelay $0x1  }
0xa1: {  	s23 =	simm.s32 $0x1B8B  }
0xa2: {  	_ =	swait.ge [sflag:s23], $0x1  }
0xa3: {  	[sflag:s23] =	ssyncset.done $0x0  }
0xa4: {  	s25 =	simm.s32 $0x1B8E;
	s24 =	sld [smem:$0x3FFE];
	[sflag:s23] =	ssyncadd.s32 $0xFFFFFFFF  }
0xa5: {  	s26 =	simm.s32 $execute0_lowered;
	[smem:$0x3FD2] =	sst s25  }
0xa6: {  	s5 =	sshll.u32 s26, $0x1;
	_ =	strace $0x80000046;
	[dreg:$0x1] =	wrdreg $0xFFFFFFFF  }
0xa7: {  	s28 =	simm.s32 $_size_execute0_lowered;
	s3 =	sadd.s32 s3, s5;
	[dreg:$0x0] =	wrdreg $0x0  }
0xa8: {  	s5 =	sshll.u32 s28, $0x1;
	[dreg:$0x2] =	wrdreg s3  }
0xa9: {  	[dreg:$0x3] =	wrdreg s5  }
0xaa: {  	[dreg:$0x4] =	wrdreg $0xC0  }
0xab: {  	_ =	task [dreg:s7], $0x5FFFF  }
0xac: {  	[dreg:$0x1] =	wrdreg $0xFFFFFFFF  }
0xad: {  	[dreg:$0x0] =	wrdreg $0x60  }
0xae: {  	[dreg:$0x2] =	wrdreg s24  }
0xaf: {  	[dreg:$0x3] =	wrdreg s2  }
0xb0: {  	[dreg:$0x4] =	wrdreg $0x9  }
0xb1: {  	_ =	task.clear_ibuf [dreg:s7], $0x5FFFF;
	_ =	strace $0x90000046  }
0xb2: {  	s29 =	simm.s32 $0x9;
	_ =	strace $0x80000048  }
0xb3: {  	_ =	swait.ge [sflag:s29], $0x1  }
0xb4: {  	[sflag:s29] =	ssyncadd.s32 $0xFFFFFFFF  }
0xb5: {  	_ =	strace $0x90000048  }
0xb6: {  	_ =	sfence  }
0xb7: {  	s30 =	sld [smem:$0x0];
	_ =	sdelay $0x2  }
0xb8: {  	s31 =	sshll.u32 s1, $0xD;
	s1 =	sshrl.u32 s1, $0x2  }
0xb9: {  	s3 =	sand.u32 $0x4000, s31;
	s1 =	sadd.s32 s1, s30  }
0xba: {  	s0 =	sor.u32 s3, s0;
	s1 =	sshll.u32 s1, $0x11  }
0xbb: {  	s0 =	sor.u32 s1, s0  }
0xbc: {  	s0 =	sadd.s32 $0x8F2B, s0  }
0xbd: {  	[sflag:s0] =	ssyncadd.remote.s32 $0x1  }
0xbe: {  	_ =	sfence.sel $0xFFFF  }
0xbf: {  	[dreg:$0x0] =	wrdreg $0xFFFFFFFF;
	(pc) =	sbr.abs _section_cstart, $3  }
0xc0: {  	[dreg:$0x1] =	wrdreg $0xFFFFFFFF  }
0xc1: {  	_ =	task.clear_ibuf [dreg:s7], $0x2FFFF;
	_ =	strace $0x9FFFFFFF  }
0xc2: {  	(tm) =	ssettm $0x7FFFFFFF  }
0xc3: {  	_ =	shalt  }
tec
execute0_lowered:
.L_overlay_start_1:
0x0: {  	(tag) =	ssettag $0x1  }
0x1: {  	s0 =	srdreg.scid;
	s14 =	stileid.u32  }
0x2: {  	s1 =	rddreg [dreg:$0x0];
	s25 =	smul.u32 $0x380000, s14  }
0x3: {  	s3 =	simm.s32 $0x0;
	s28 =	simm.s32 $0x6680;
	s16 =	smul.u32 $0xC000, s14  }
0x4: {  	s30 =	simm.s32 $0x1;
	s0 =	sand.u32 $0x1, s0;
	s20 =	smul.u32 $0x60000, s14  }
0x5: {  	s31 =	simm.s32 $0x10680;
	s2 =	sshll.u32 s14, $0x1;
	s29 =	smul.u32 $0x1C0000, s0  }
0x6: {  	[smem:$0x7FF] =	sst s3;
	s10 =	sadd.s32 $0x61A00, s1;
	s18 =	smul.u32 $0x6000, s0  }
0x7: {  	s9 =	sadd.s32 $0x2900, s1;
	s2 =	sor.u32 s0, s2;
	s21 =	smul.u32 $0x30000, s0  }
0x8: {  	_ =	strace $0x80000047;
	s7 =	ssub.s32 $0x2, s0;
	s0 =	smul.u32 $0x38000, s0  }
0x9: {  	s4 =	smul.u32 $0xC0, s2;
	s5 =	sshll.u32 s2, $0x3;
	s2 =	sshll.u32 s2, $0xD  }
0xa: {  	s8 =	sshrl.u32 s7, $0x1;
	s5 =	sadd.s32 s5, s1;
	s23 =	sadd.s32 s18, s16  }
0xb: {  	s2 =	sadd.s32 s2, s1;
	s5 =	sadd.s32 $0x2400, s5;
	[dreg:$0xe] =	wrdreg s23  }
0xc: {  	s11 =	ssub.s32 s7, s8;
	s26 =	sadd.s32 $0x21A00, s2;
	[dreg:$0x4] =	wrdreg s5  }
0xd: {  	s7 =	sadd.s32 $0x2700, s1;
	s13 =	sadd.s32 $0x21E00, s2;
	[dreg:$0x5] =	wrdreg s26  }
0xe: {  	s8 =	sadd.s32 $0x2800, s1;
	s15 =	sadd.s32 $0x22200, s2;
	[dreg:$0x6] =	wrdreg s13  }
0xf: {  	s16 =	simm.s32 $0x680;
	s12 =	sadd.s32 $0x22600, s2;
	[dreg:$0x7] =	wrdreg s15  }
0x10: {  	s18 =	simm.s32 $0x2680;
	s17 =	sadd.s32 $0x22A00, s2;
	[dreg:$0x8] =	wrdreg s12  }
0x11: {  	s6 =	sadd.s32 s4, s1;
	s19 =	sadd.s32 $0x23200, s2;
	[dreg:$0x9] =	wrdreg s17  }
0x12: {  	s4 =	sadd.s32 $0x2600, s1;
	s22 =	smax.u32 s11, $0x1;
	[dreg:$0xb] =	wrdreg s19  }
0x13: {  	s1 =	sadd.s32 s29, s25;
	s6 =	sadd.s32 $0xC00, s6;
	[dreg:$0xd] =	wrdreg s22  }
0x14: {  	s25 =	smul.u32 $0x70000, s14;
	s13 =	sadd.s32 $0x22E00, s2;
	[dreg:$0x3] =	wrdreg s6  }
0x15: {  	s2 =	sadd.s32 $0x23600, s2;
	s24 =	sor.u32 $0x6000, s1;
	[dreg:$0xa] =	wrdreg s13  }
0x16: {  	s1 =	sor.u32 $0x14000, s1;
	s17 =	simm.s32 $0x10280;
	[dreg:$0xc] =	wrdreg s2  }
0x17: {  	s5 =	sshrl.u32 s24, $0x3;
	s2 =	sadd.s32 s21, s20;
	s1 =	sshrl.u32 s1, $0x3  }
0x18: {  	s26 =	sadd.s32 s25, s10;
	s25 =	simm.s32 $0x8680;
	s5 =	sadd.s32 s5, s10  }
0x19: {  	s24 =	simm.s32 $0x2;
	s1 =	sadd.s32 s1, s10;
	[dreg:$0xf] =	wrdreg s5  }
0x1a: {  	v2 =	vlaneseq.u32;
	s2 =	sor.u32 $0x2400, s2;
	s0 =	sadd.s32 s0, s26;
	[dreg:$0x10] =	wrdreg s1  }
0x1b: {  	vm0 =	vmmov $0xffff;
	v1 =	vshrl.u32 v2, $0x3;
	s26 =	simm.s32 $0x4680;
	s29 =	sshrl.u32 s2, $0x3;
	[dreg:$0x12] =	wrdreg s0  }
0x1c: {  	v0 =	vand.u32 $0x7, v2;
	v2 =	vor.u32 $0x8, v2;
	v1 =	vmul.u32 $0x8, v1;
	s0 =	simm.s32 $0xA680;
	s1 =	simm.s32 $0x0;
	[dreg:$0x11] =	wrdreg s29  }
.LBB2_1:
0x1d: {  	[dreg:$0x13] =	wrdreg s1  }
0x1e: {  	s10 =	rddreg [dreg:$0x3];
	s12 =	simm.s32 $0x5  }
0x1f: {  	[tilespmem:s3], [sflag:$0x5] =	stream.linear.gather [hbm4b:s10+s3], $0x600, $0x38;
	[tilespmem:$0x1C680] =	vst v63  }
0x20: {  	_ =	swait.ge [sflag:s12], $0x600  }
0x21: {  	[sflag:s12] =	ssyncset.done $0x0  }
0x22: {  	s14 =	simm.s32 $0x600;
	s22 =	rddreg [dreg:$0x4];
	[sflag:s12] =	ssyncadd.s32 $0xFFFFFA00  }
0x23: {  	[tilespmem:s14], [sflag:$0x5] =	stream.linear.gather [hbm4b:s22+s3], $0x40, $0x38;
	[tilespmem:$0x1C680] =	vst v63  }
0x24: {  	_ =	swait.ge [sflag:s12], $0x40  }
0x25: {  	[sflag:s12] =	ssyncset.done $0x0  }
0x26: {  	[sflag:s12] =	ssyncadd.s32 $0xFFFFFFC0  }
0x27: {  	v3 =	vld [tilespmem:$0x0];
	_ =	sdelay $0x4  }
0x28: {  	v4 =	vshll.u32 v3, $0x3  }
0x29: {  	v3 =	vand.u32 $0x7, v3;
	v4 =	vand.u32 $0xFFFFFFC0, v4  }
0x2a: {  	v3 =	vor.u32 v3, v4  }
0x2b: {  	v4 =	vperm.xlane v3, v0;
	_ =	sdelay $0x1  }
0x2c: {  	v4 =	vadd.s32 v1, v4;
	_ =	sdelay $0x4  }
0x2d: {  	[tilespmem:s16], [sflag:$0x1] =	stream.indirect_vreg.gather [hbm4b:s4+s3], $0x80, v4, vm0, $0xb8;
	[tilespmem:$0x1C680] =	vst v63  }
0x2e: {  	s23 =	simm.s32 $0xE80;
	v3 =	vperm.xlane v3, v2  }
0x2f: {  	[tilespmem:s23], [sflag:$0x1] =	stream.indirect_vreg.gather [hbm4b:s7+s3], $0x80, v4, vm0, $0xb8;
	[tilespmem:$0x1C680] =	vst v63  }
0x30: {  	s1 =	simm.s32 $0x1680;
	v3 =	vadd.s32 v1, v3  }
0x31: {  	[tilespmem:s1], [sflag:$0x1] =	stream.indirect_vreg.gather [hbm4b:s8+s3], $0x80, v4, vm0, $0xb8;
	[tilespmem:$0x1C680] =	vst v63  }
0x32: {  	s2 =	simm.s32 $0x1E80  }
0x33: {  	[tilespmem:s2], [sflag:$0x1] =	stream.indirect_vreg.gather [hbm4b:s9+s3], $0x80, v4, vm0, $0xb8;
	[tilespmem:$0x1C680] =	vst v63  }
0x34: {  	_ = 	snop  }
0x35: {  	[tilespmem:s18], [sflag:$0x1] =	stream.indirect_vreg.gather [hbm4b:s4+s3], $0x80, v3, vm0, $0xb8;
	[tilespmem:$0x1C680] =	vst v63  }
0x36: {  	s5 =	simm.s32 $0x2E80  }
0x37: {  	[tilespmem:s5], [sflag:$0x1] =	stream.indirect_vreg.gather [hbm4b:s7+s3], $0x80, v3, vm0, $0xb8;
	[tilespmem:$0x1C680] =	vst v63  }
0x38: {  	s6 =	simm.s32 $0x3680  }
0x39: {  	[tilespmem:s6], [sflag:$0x1] =	stream.indirect_vreg.gather [hbm4b:s8+s3], $0x80, v3, vm0, $0xb8;
	[tilespmem:$0x1C680] =	vst v63  }
0x3a: {  	s11 =	simm.s32 $0x3E80  }
0x3b: {  	[tilespmem:s11], [sflag:$0x1] =	stream.indirect_vreg.gather [hbm4b:s9+s3], $0x80, v3, vm0, $0xb8;
	[tilespmem:$0x1C680] =	vst v63  }
0x3c: {  	v3 =	vld.msk [tilespmem:$0x10], $0xff;
	_ =	sdelay $0x4  }
0x3d: {  	v61 =	vshll.u32 v3, $0x3  }
0x3e: {  	v3 =	vand.u32 $0x7, v3;
	v4 =	vand.u32 $0xFFFFFFC0, v61  }
0x3f: {  	v3 =	vor.u32 v3, v4  }
0x40: {  	v3 =	vperm.xlane v3, v0;
	_ =	sdelay $0x1  }
0x41: {  	v3 =	vadd.s32 v1, v3;
	_ =	sdelay $0x4  }
0x42: {  	[tilespmem:s26], [sflag:$0x1] =	stream.indirect_vreg.gather [hbm4b:s4+s3], $0x80, v3, vm0, $0xb8;
	[tilespmem:$0x1C680] =	vst v63  }
0x43: {  	s12 =	simm.s32 $0x4E80  }
0x44: {  	[tilespmem:s12], [sflag:$0x1] =	stream.indirect_vreg.gather [hbm4b:s7+s3], $0x80, v3, vm0, $0xb8;
	[tilespmem:$0x1C680] =	vst v63  }
0x45: {  	s13 =	simm.s32 $0x5680  }
0x46: {  	[tilespmem:s13], [sflag:$0x1] =	stream.indirect_vreg.gather [hbm4b:s8+s3], $0x80, v3, vm0, $0xb8;
	[tilespmem:$0x1C680] =	vst v63  }
0x47: {  	s14 =	simm.s32 $0x5E80  }
0x48: {  	[tilespmem:s14], [sflag:$0x1] =	stream.indirect_vreg.gather [hbm4b:s9+s3], $0x80, v3, vm0, $0xb8;
	[tilespmem:$0x1C680] =	vst v63  }
0x49: {  	v3 =	vld [tilespmem:$0x18];
	_ =	sdelay $0x4  }
0x4a: {  	v62 =	vshll.u32 v3, $0x3  }
0x4b: {  	v3 =	vand.u32 $0x7, v3;
	v4 =	vand.u32 $0xFFFFFFC0, v62  }
0x4c: {  	v3 =	vor.u32 v3, v4  }
0x4d: {  	v4 =	vperm.xlane v3, v0;
	_ =	sdelay $0x1  }
0x4e: {  	v4 =	vadd.s32 v1, v4;
	_ =	sdelay $0x4  }
0x4f: {  	[tilespmem:s28], [sflag:$0x1] =	stream.indirect_vreg.gather [hbm4b:s4+s3], $0x80, v4, vm0, $0xb8;
	[tilespmem:$0x1C680] =	vst v63  }
0x50: {  	s15 =	simm.s32 $0x6E80;
	v3 =	vperm.xlane v3, v2  }
0x51: {  	[tilespmem:s15], [sflag:$0x1] =	stream.indirect_vreg.gather [hbm4b:s7+s3], $0x80, v4, vm0, $0xb8;
	[tilespmem:$0x1C680] =	vst v63  }
0x52: {  	s19 =	simm.s32 $0x7680;
	v3 =	vadd.s32 v1, v3  }
0x53: {  	[tilespmem:s19], [sflag:$0x1] =	stream.indirect_vreg.gather [hbm4b:s8+s3], $0x80, v4, vm0, $0xb8;
	[tilespmem:$0x1C680] =	vst v63  }
0x54: {  	s20 =	simm.s32 $0x7E80  }
0x55: {  	[tilespmem:s20], [sflag:$0x1] =	stream.indirect_vreg.gather [hbm4b:s9+s3], $0x80, v4, vm0, $0xb8;
	[tilespmem:$0x1C680] =	vst v63  }
0x56: {  	_ = 	snop  }
0x57: {  	[tilespmem:s25], [sflag:$0x1] =	stream.indirect_vreg.gather [hbm4b:s4+s3], $0x80, v3, vm0, $0xb8;
	[tilespmem:$0x1C680] =	vst v63  }
0x58: {  	s21 =	simm.s32 $0x8E80  }
0x59: {  	[tilespmem:s21], [sflag:$0x1] =	stream.indirect_vreg.gather [hbm4b:s7+s3], $0x80, v3, vm0, $0xb8;
	[tilespmem:$0x1C680] =	vst v63  }
0x5a: {  	s22 =	simm.s32 $0x9680  }
0x5b: {  	[tilespmem:s22], [sflag:$0x1] =	stream.indirect_vreg.gather [hbm4b:s8+s3], $0x80, v3, vm0, $0xb8;
	[tilespmem:$0x1C680] =	vst v63  }
0x5c: {  	s23 =	simm.s32 $0x9E80  }
0x5d: {  	[tilespmem:s23], [sflag:$0x1] =	stream.indirect_vreg.gather [hbm4b:s9+s3], $0x80, v3, vm0, $0xb8;
	[tilespmem:$0x1C680] =	vst v63  }
0x5e: {  	v3 =	vld.msk [tilespmem:$0x28], $0xff;
	_ =	sdelay $0x4  }
0x5f: {  	v63 =	vshll.u32 v3, $0x3  }
0x60: {  	v3 =	vand.u32 $0x7, v3;
	v4 =	vand.u32 $0xFFFFFFC0, v63  }
0x61: {  	v3 =	vor.u32 v3, v4  }
0x62: {  	v3 =	vperm.xlane v3, v0;
	_ =	sdelay $0x1  }
0x63: {  	v3 =	vadd.s32 v1, v3  }
0x64: {  	s29 =	simm.s32 $0x0;
	s6 =	rddreg [dreg:$0x12]  }
0x65: {  	s10 =	simm.s32 $0x48;
	s1 =	simm.s32 $0x14680;
	s12 =	rddreg [dreg:$0x1]  }
0x66: {  	s2 =	simm.s32 $0x12280;
	s5 =	simm.s32 $0x18280;
	s20 =	rddreg [dreg:$0xe]  }
0x67: {  	s11 =	simm.s32 $0x16680;
	s26 =	simm.s32 $0xB680;
	s21 =	rddreg [dreg:$0xf]  }
0x68: {  	[tilespmem:s0], [sflag:$0x1] =	stream.indirect_vreg.gather [hbm4b:s4+s3], $0x80, v3, vm0, $0xb8;
	[tilespmem:$0x1C680] =	vst v63  }
0x69: {  	s13 =	simm.s32 $0xC680;
	s25 =	simm.s32 $0xAE80;
	s22 =	rddreg [dreg:$0x10]  }
0x6a: {  	[tilespmem:s25], [sflag:$0x1] =	stream.indirect_vreg.gather [hbm4b:s7+s3], $0x80, v3, vm0, $0xb8;
	[tilespmem:$0x1C680] =	vst v63  }
0x6b: {  	s28 =	simm.s32 $0xBE80;
	s15 =	simm.s32 $0xE680;
	s23 =	rddreg [dreg:$0x11]  }
0x6c: {  	[tilespmem:s26], [sflag:$0x1] =	stream.indirect_vreg.gather [hbm4b:s8+s3], $0x80, v3, vm0, $0xb8;
	[tilespmem:$0x1C680] =	vst v63  }
0x6d: {  	s0 =	simm.s32 $0x14280;
	s25 =	simm.s32 $0x12680;
	s26 =	simm.s32 $0x16280  }
0x6e: {  	[tilespmem:s28], [sflag:$0x1] =	stream.indirect_vreg.gather [hbm4b:s9+s3], $0x80, v3, vm0, $0xb8;
	[tilespmem:$0x1C680] =	vst v63  }
.LBB2_2:
0x6f: {  	_ =	swait.ge [sflag:s30], $0x6000  }
0x70: {  	p0 =	seq.s32 s29, $0x0;
	[sflag:s30] =	ssyncset.done $0x0  }
0x71: {  	s28 =	simm.s32 @!p0 $0x2;
	[sflag:s30] =	ssyncadd.s32 $0xFFFFA000  }
0x72: {  	_ =	swait.ge @!p0 [sflag:s28], $0x6000  }
0x73: {  	[sflag:s28] =	ssyncset.done @!p0 $0x0  }
0x74: {  	s14 =	sadd.s32 s29, s6;
	[sflag:s28] =	ssyncadd.s32 @!p0 $0xFFFFA000  }
0x75: {  	[hbm4b:s14+s3] =	stream.linear.scatter [tilespmem:s16], [sflag:$0x2], $0x1C00, $0x38;
	[tilespmem:$0x1C680] =	vst v63  }
0x76: {  	s19 =	sadd.s32 $0x400, s14  }
0x77: {  	[hbm4b:s19+s3] =	stream.linear.scatter [tilespmem:s18], [sflag:$0x2], $0x1C00, $0x38;
	[tilespmem:$0x1C680] =	vst v63  }
0x78: {  	s18 =	sadd.s32 $0x800, s14;
	s19 =	simm.s32 $0x4680  }
0x79: {  	[hbm4b:s18+s3] =	stream.linear.scatter [tilespmem:s19], [sflag:$0x2], $0x1C00, $0x38;
	[tilespmem:$0x1C680] =	vst v63  }
0x7a: {  	s16 =	sadd.s32 s12, s20;
	s19 =	simm.s32 $0x2280  }
0x7b: {  	[hbm4b:s16+s3] =	stream.linear.scatter [tilespmem:s19], [sflag:$0x2], $0x400, $0x38;
	[tilespmem:$0x1C680] =	vst v63  }
0x7c: {  	s18 =	sadd.s32 $0x80, s16;
	s19 =	simm.s32 $0x4280  }
0x7d: {  	[hbm4b:s18+s3] =	stream.linear.scatter [tilespmem:s19], [sflag:$0x2], $0x400, $0x38;
	[tilespmem:$0x1C680] =	vst v63  }
0x7e: {  	s18 =	sadd.s32 $0x100, s16;
	s19 =	simm.s32 $0x6280  }
0x7f: {  	[hbm4b:s18+s3] =	stream.linear.scatter [tilespmem:s19], [sflag:$0x2], $0x400, $0x38;
	[tilespmem:$0x1C680] =	vst v63  }
0x80: {  	v3 =	vld [tilespmem:s10+$0xFFFFFFE8];
	_ =	sdelay $0x4  }
0x81: {  	v4 =	vshll.u32 v3, $0x3  }
0x82: {  	v3 =	vand.u32 $0x7, v3;
	v4 =	vand.u32 $0xFFFFFFC0, v4  }
0x83: {  	v3 =	vor.u32 v3, v4  }
0x84: {  	v4 =	vperm.xlane v3, v0;
	_ =	sdelay $0x1  }
0x85: {  	v4 =	vadd.s32 v1, v4;
	_ =	sdelay $0x4  }
0x86: {  	[tilespmem:s13], [sflag:$0x1] =	stream.indirect_vreg.gather [hbm4b:s4+s3], $0x80, v4, vm0, $0xb8;
	[tilespmem:$0x1C680] =	vst v63  }
0x87: {  	s19 =	simm.s32 $0xCE80;
	v3 =	vperm.xlane v3, v2  }
0x88: {  	[tilespmem:s19], [sflag:$0x1] =	stream.indirect_vreg.gather [hbm4b:s7+s3], $0x80, v4, vm0, $0xb8;
	[tilespmem:$0x1C680] =	vst v63  }
0x89: {  	v3 =	vadd.s32 v1, v3;
	s19 =	simm.s32 $0xD680  }
0x8a: {  	[tilespmem:s19], [sflag:$0x1] =	stream.indirect_vreg.gather [hbm4b:s8+s3], $0x80, v4, vm0, $0xb8;
	[tilespmem:$0x1C680] =	vst v63  }
0x8b: {  	s19 =	simm.s32 $0xDE80  }
0x8c: {  	[tilespmem:s19], [sflag:$0x1] =	stream.indirect_vreg.gather [hbm4b:s9+s3], $0x80, v4, vm0, $0xb8;
	[tilespmem:$0x1C680] =	vst v63  }
0x8d: {  	_ = 	snop  }
0x8e: {  	[tilespmem:s15], [sflag:$0x1] =	stream.indirect_vreg.gather [hbm4b:s4+s3], $0x80, v3, vm0, $0xb8;
	[tilespmem:$0x1C680] =	vst v63  }
0x8f: {  	s19 =	simm.s32 $0xEE80  }
0x90: {  	[tilespmem:s19], [sflag:$0x1] =	stream.indirect_vreg.gather [hbm4b:s7+s3], $0x80, v3, vm0, $0xb8;
	[tilespmem:$0x1C680] =	vst v63  }
0x91: {  	s19 =	simm.s32 $0xF680  }
0x92: {  	[tilespmem:s19], [sflag:$0x1] =	stream.indirect_vreg.gather [hbm4b:s8+s3], $0x80, v3, vm0, $0xb8;
	[tilespmem:$0x1C680] =	vst v63  }
0x93: {  	s19 =	simm.s32 $0xFE80  }
0x94: {  	[tilespmem:s19], [sflag:$0x1] =	stream.indirect_vreg.gather [hbm4b:s9+s3], $0x80, v3, vm0, $0xb8;
	[tilespmem:$0x1C680] =	vst v63  }
0x95: {  	v3 =	vld.msk [tilespmem:s10+$0xFFFFFFF8], $0xff;
	_ =	sdelay $0x4  }
0x96: {  	v61 =	vshll.u32 v3, $0x3  }
0x97: {  	v3 =	vand.u32 $0x7, v3;
	v4 =	vand.u32 $0xFFFFFFC0, v61  }
0x98: {  	v3 =	vor.u32 v3, v4  }
0x99: {  	v3 =	vperm.xlane v3, v0;
	_ =	sdelay $0x1  }
0x9a: {  	v3 =	vadd.s32 v1, v3;
	_ =	sdelay $0x4  }
0x9b: {  	[tilespmem:s31], [sflag:$0x1] =	stream.indirect_vreg.gather [hbm4b:s4+s3], $0x80, v3, vm0, $0xb8;
	[tilespmem:$0x1C680] =	vst v63  }
0x9c: {  	s19 =	simm.s32 $0x10E80  }
0x9d: {  	[tilespmem:s19], [sflag:$0x1] =	stream.indirect_vreg.gather [hbm4b:s7+s3], $0x80, v3, vm0, $0xb8;
	[tilespmem:$0x1C680] =	vst v63  }
0x9e: {  	s19 =	simm.s32 $0x11680  }
0x9f: {  	[tilespmem:s19], [sflag:$0x1] =	stream.indirect_vreg.gather [hbm4b:s8+s3], $0x80, v3, vm0, $0xb8;
	[tilespmem:$0x1C680] =	vst v63  }
0xa0: {  	s19 =	simm.s32 $0x11E80  }
0xa1: {  	[tilespmem:s19], [sflag:$0x1] =	stream.indirect_vreg.gather [hbm4b:s9+s3], $0x80, v3, vm0, $0xb8;
	[tilespmem:$0x1C680] =	vst v63  }
0xa2: {  	_ =	swait.ge [sflag:s30], $0x6000  }
0xa3: {  	[sflag:s30] =	ssyncset.done $0x0  }
0xa4: {  	[sflag:s30] =	ssyncadd.s32 $0xFFFFA000  }
0xa5: {  	_ =	swait.ge @!p0 [sflag:s28], $0x6000  }
0xa6: {  	[sflag:s28] =	ssyncset.done @!p0 $0x0  }
0xa7: {  	s18 =	sadd.s32 s29, s21;
	[sflag:s28] =	ssyncadd.s32 @!p0 $0xFFFFA000;
	s28 =	simm.s32 $0x6680  }
0xa8: {  	[hbm4b:s18+s3] =	stream.linear.scatter [tilespmem:s28], [sflag:$0x2], $0x1C00, $0x38;
	[tilespmem:$0x1C680] =	vst v63  }
0xa9: {  	s19 =	simm.s32 $0x8680;
	s28 =	sadd.s32 $0x400, s18  }
0xaa: {  	[hbm4b:s28+s3] =	stream.linear.scatter [tilespmem:s19], [sflag:$0x2], $0x1C00, $0x38;
	[tilespmem:$0x1C680] =	vst v63  }
0xab: {  	s18 =	sadd.s32 $0x800, s18;
	s28 =	simm.s32 $0xA680  }
0xac: {  	[hbm4b:s18+s3] =	stream.linear.scatter [tilespmem:s28], [sflag:$0x2], $0x1C00, $0x38;
	[tilespmem:$0x1C680] =	vst v63  }
0xad: {  	s19 =	sadd.s32 $0x180, s16;
	s28 =	simm.s32 $0x8280  }
0xae: {  	[hbm4b:s19+s3] =	stream.linear.scatter [tilespmem:s28], [sflag:$0x2], $0x400, $0x38;
	[tilespmem:$0x1C680] =	vst v63  }
0xaf: {  	s19 =	sadd.s32 $0x200, s16;
	s28 =	simm.s32 $0xA280  }
0xb0: {  	[hbm4b:s19+s3] =	stream.linear.scatter [tilespmem:s28], [sflag:$0x2], $0x400, $0x38;
	[tilespmem:$0x1C680] =	vst v63  }
0xb1: {  	s19 =	sadd.s32 $0x280, s16;
	s28 =	simm.s32 $0xC280  }
0xb2: {  	[hbm4b:s19+s3] =	stream.linear.scatter [tilespmem:s28], [sflag:$0x2], $0x400, $0x38;
	[tilespmem:$0x1C680] =	vst v63  }
0xb3: {  	v3 =	vld [tilespmem:s10+$0x0];
	_ =	sdelay $0x4  }
0xb4: {  	v62 =	vshll.u32 v3, $0x3  }
0xb5: {  	v3 =	vand.u32 $0x7, v3;
	v4 =	vand.u32 $0xFFFFFFC0, v62  }
0xb6: {  	v3 =	vor.u32 v3, v4  }
0xb7: {  	v4 =	vperm.xlane v3, v0;
	_ =	sdelay $0x1  }
0xb8: {  	v4 =	vadd.s32 v1, v4;
	_ =	sdelay $0x4  }
0xb9: {  	[tilespmem:s25], [sflag:$0x1] =	stream.indirect_vreg.gather [hbm4b:s4+s3], $0x80, v4, vm0, $0xb8;
	[tilespmem:$0x1C680] =	vst v63  }
0xba: {  	s28 =	simm.s32 $0x12E80;
	v3 =	vperm.xlane v3, v2  }
0xbb: {  	[tilespmem:s28], [sflag:$0x1] =	stream.indirect_vreg.gather [hbm4b:s7+s3], $0x80, v4, vm0, $0xb8;
	[tilespmem:$0x1C680] =	vst v63  }
0xbc: {  	s19 =	simm.s32 $0x13680;
	v3 =	vadd.s32 v1, v3  }
0xbd: {  	[tilespmem:s19], [sflag:$0x1] =	stream.indirect_vreg.gather [hbm4b:s8+s3], $0x80, v4, vm0, $0xb8;
	[tilespmem:$0x1C680] =	vst v63  }
0xbe: {  	s28 =	simm.s32 $0x13E80  }
0xbf: {  	[tilespmem:s28], [sflag:$0x1] =	stream.indirect_vreg.gather [hbm4b:s9+s3], $0x80, v4, vm0, $0xb8;
	[tilespmem:$0x1C680] =	vst v63  }
0xc0: {  	_ = 	snop  }
0xc1: {  	[tilespmem:s1], [sflag:$0x1] =	stream.indirect_vreg.gather [hbm4b:s4+s3], $0x80, v3, vm0, $0xb8;
	[tilespmem:$0x1C680] =	vst v63  }
0xc2: {  	s19 =	simm.s32 $0x14E80  }
0xc3: {  	[tilespmem:s19], [sflag:$0x1] =	stream.indirect_vreg.gather [hbm4b:s7+s3], $0x80, v3, vm0, $0xb8;
	[tilespmem:$0x1C680] =	vst v63  }
0xc4: {  	s28 =	simm.s32 $0x15680  }
0xc5: {  	[tilespmem:s28], [sflag:$0x1] =	stream.indirect_vreg.gather [hbm4b:s8+s3], $0x80, v3, vm0, $0xb8;
	[tilespmem:$0x1C680] =	vst v63  }
0xc6: {  	s19 =	simm.s32 $0x15E80  }
0xc7: {  	[tilespmem:s19], [sflag:$0x1] =	stream.indirect_vreg.gather [hbm4b:s9+s3], $0x80, v3, vm0, $0xb8;
	[tilespmem:$0x1C680] =	vst v63  }
0xc8: {  	v3 =	vld.msk [tilespmem:s10+$0x10], $0xff;
	_ =	sdelay $0x4  }
0xc9: {  	v63 =	vshll.u32 v3, $0x3  }
0xca: {  	v3 =	vand.u32 $0x7, v3;
	v4 =	vand.u32 $0xFFFFFFC0, v63  }
0xcb: {  	v3 =	vor.u32 v3, v4  }
0xcc: {  	v3 =	vperm.xlane v3, v0;
	_ =	sdelay $0x1  }
0xcd: {  	v3 =	vadd.s32 v1, v3;
	_ =	sdelay $0x4  }
0xce: {  	[tilespmem:s11], [sflag:$0x1] =	stream.indirect_vreg.gather [hbm4b:s4+s3], $0x80, v3, vm0, $0xb8;
	[tilespmem:$0x1C680] =	vst v63  }
0xcf: {  	s28 =	simm.s32 $0x16E80  }
0xd0: {  	[tilespmem:s28], [sflag:$0x1] =	stream.indirect_vreg.gather [hbm4b:s7+s3], $0x80, v3, vm0, $0xb8;
	[tilespmem:$0x1C680] =	vst v63  }
0xd1: {  	s19 =	simm.s32 $0x17680  }
0xd2: {  	[tilespmem:s19], [sflag:$0x1] =	stream.indirect_vreg.gather [hbm4b:s8+s3], $0x80, v3, vm0, $0xb8;
	[tilespmem:$0x1C680] =	vst v63  }
0xd3: {  	s28 =	simm.s32 $0x17E80  }
0xd4: {  	[tilespmem:s28], [sflag:$0x1] =	stream.indirect_vreg.gather [hbm4b:s9+s3], $0x80, v3, vm0, $0xb8;
	[tilespmem:$0x1C680] =	vst v63  }
0xd5: {  	_ =	swait.ge [sflag:s30], $0x6000  }
0xd6: {  	[sflag:s30] =	ssyncset.done $0x0  }
0xd7: {  	[sflag:s30] =	ssyncadd.s32 $0xFFFFA000  }
0xd8: {  	_ =	swait.ge [sflag:s24], $0x6000  }
0xd9: {  	[sflag:s24] =	ssyncset.done $0x0  }
0xda: {  	s19 =	sadd.s32 $0x1C00, s14;
	[sflag:s24] =	ssyncadd.s32 $0xFFFFA000  }
0xdb: {  	[hbm4b:s19+s3] =	stream.linear.scatter [tilespmem:s13], [sflag:$0x2], $0x1C00, $0x38;
	[tilespmem:$0x1C680] =	vst v63  }
0xdc: {  	s28 =	sadd.s32 $0x2000, s14  }
0xdd: {  	[hbm4b:s28+s3] =	stream.linear.scatter [tilespmem:s15], [sflag:$0x2], $0x1C00, $0x38;
	[tilespmem:$0x1C680] =	vst v63  }
0xde: {  	s14 =	sadd.s32 $0x2400, s14  }
0xdf: {  	[hbm4b:s14+s3] =	stream.linear.scatter [tilespmem:s31], [sflag:$0x2], $0x1C00, $0x38;
	[tilespmem:$0x1C680] =	vst v63  }
0xe0: {  	s18 =	sadd.s32 $0x300, s16;
	s19 =	simm.s32 $0xE280  }
0xe1: {  	[hbm4b:s18+s3] =	stream.linear.scatter [tilespmem:s19], [sflag:$0x2], $0x400, $0x38;
	[tilespmem:$0x1C680] =	vst v63  }
0xe2: {  	s28 =	sadd.s32 $0x380, s16  }
0xe3: {  	[hbm4b:s28+s3] =	stream.linear.scatter [tilespmem:s17], [sflag:$0x2], $0x400, $0x38;
	[tilespmem:$0x1C680] =	vst v63  }
0xe4: {  	p0 =	seq.s32 s29, $0x34800;
	s18 =	sadd.s32 $0x400, s16  }
0xe5: {  	[hbm4b:s18+s3] =	stream.linear.scatter [tilespmem:s2], [sflag:$0x2], $0x400, $0x38;
	[tilespmem:$0x1C680] =	vst v63  }
0xe6: {  	v3 =	vld @!p0 [tilespmem:s10+$0x18];
	_ =	sdelay $0x4  }
0xe7: {  	v4 =	vshll.u32 @!p0 v3, $0x3  }
0xe8: {  	v5 =	vlaneseq.u32 @!p0;
	v3 =	vand.u32 @!p0 $0x7, v3;
	v4 =	vand.u32 @!p0 $0xFFFFFFC0, v4  }
0xe9: {  	v6 =	vshrl.u32 @!p0 v5, $0x3;
	v3 =	vor.u32 @!p0 v3, v4;
	v4 =	vand.u32 @!p0 $0x7, v5  }
0xea: {  	v6 =	vmul.u32 @!p0 $0x8, v6;
	v7 =	vperm.xlane @!p0 v3, v4;
	_ =	sdelay $0x1  }
0xeb: {  	v7 =	vadd.s32 @!p0 v6, v7;
	_ =	sdelay $0x3  }
0xec: {  	vm1 =	vmmov @!p0 $0xffff;
	s14 =	simm.s32 @!p0 $0x0;
	s16 =	simm.s32 @!p0 $0x680  }
0xed: {  	v5 =	vor.u32 @!p0 $0x8, v5;
	[tilespmem:s16], [sflag:$0x1] =	stream.indirect_vreg.gather @!p0 [hbm4b:s4+s14], $0x80, v7, vm1, $0xb8;
	[tilespmem:$0x1C680] =	vst v63  }
0xee: {  	v3 =	vperm.xlane @!p0 v3, v5;
	s16 =	simm.s32 @!p0 $0xE80  }
0xef: {  	[tilespmem:s16], [sflag:$0x1] =	stream.indirect_vreg.gather @!p0 [hbm4b:s7+s14], $0x80, v7, vm1, $0xb8;
	[tilespmem:$0x1C680] =	vst v63  }
0xf0: {  	v3 =	vadd.s32 @!p0 v6, v3;
	s16 =	simm.s32 @!p0 $0x1680  }
0xf1: {  	[tilespmem:s16], [sflag:$0x1] =	stream.indirect_vreg.gather @!p0 [hbm4b:s8+s14], $0x80, v7, vm1, $0xb8;
	[tilespmem:$0x1C680] =	vst v63  }
0xf2: {  	s16 =	simm.s32 @!p0 $0x1E80  }
0xf3: {  	[tilespmem:s16], [sflag:$0x1] =	stream.indirect_vreg.gather @!p0 [hbm4b:s9+s14], $0x80, v7, vm1, $0xb8;
	[tilespmem:$0x1C680] =	vst v63  }
0xf4: {  	s16 =	simm.s32 @!p0 $0x2680  }
0xf5: {  	[tilespmem:s16], [sflag:$0x1] =	stream.indirect_vreg.gather @!p0 [hbm4b:s4+s14], $0x80, v3, vm1, $0xb8;
	[tilespmem:$0x1C680] =	vst v63  }
0xf6: {  	s16 =	simm.s32 @!p0 $0x2E80  }
0xf7: {  	[tilespmem:s16], [sflag:$0x1] =	stream.indirect_vreg.gather @!p0 [hbm4b:s7+s14], $0x80, v3, vm1, $0xb8;
	[tilespmem:$0x1C680] =	vst v63  }
0xf8: {  	s16 =	simm.s32 @!p0 $0x3680  }
0xf9: {  	[tilespmem:s16], [sflag:$0x1] =	stream.indirect_vreg.gather @!p0 [hbm4b:s8+s14], $0x80, v3, vm1, $0xb8;
	[tilespmem:$0x1C680] =	vst v63  }
0xfa: {  	s16 =	simm.s32 @!p0 $0x3E80  }
0xfb: {  	[tilespmem:s16], [sflag:$0x1] =	stream.indirect_vreg.gather @!p0 [hbm4b:s9+s14], $0x80, v3, vm1, $0xb8;
	[tilespmem:$0x1C680] =	vst v63  }
0xfc: {  	v3 =	vld.msk @!p0 [tilespmem:s10+$0x28], $0xff;
	_ =	sdelay $0x4  }
0xfd: {  	v7 =	vshll.u32 @!p0 v3, $0x3  }
0xfe: {  	v3 =	vand.u32 @!p0 $0x7, v3;
	v7 =	vand.u32 @!p0 $0xFFFFFFC0, v7  }
0xff: {  	v3 =	vor.u32 @!p0 v3, v7  }
0x100: {  	v3 =	vperm.xlane @!p0 v3, v4;
	_ =	sdelay $0x1  }
0x101: {  	v3 =	vadd.s32 @!p0 v6, v3;
	_ =	sdelay $0x3  }
0x102: {  	s16 =	simm.s32 @!p0 $0x4680  }
0x103: {  	[tilespmem:s16], [sflag:$0x1] =	stream.indirect_vreg.gather @!p0 [hbm4b:s4+s14], $0x80, v3, vm1, $0xb8;
	[tilespmem:$0x1C680] =	vst v63  }
0x104: {  	s16 =	simm.s32 @!p0 $0x4E80  }
0x105: {  	[tilespmem:s16], [sflag:$0x1] =	stream.indirect_vreg.gather @!p0 [hbm4b:s7+s14], $0x80, v3, vm1, $0xb8;
	[tilespmem:$0x1C680] =	vst v63  }
0x106: {  	s16 =	simm.s32 @!p0 $0x5680  }
0x107: {  	[tilespmem:s16], [sflag:$0x1] =	stream.indirect_vreg.gather @!p0 [hbm4b:s8+s14], $0x80, v3, vm1, $0xb8;
	[tilespmem:$0x1C680] =	vst v63  }
0x108: {  	s16 =	simm.s32 @!p0 $0x5E80  }
0x109: {  	[tilespmem:s16], [sflag:$0x1] =	stream.indirect_vreg.gather @!p0 [hbm4b:s9+s14], $0x80, v3, vm1, $0xb8;
	[tilespmem:$0x1C680] =	vst v63  }
0x10a: {  	_ =	swait.ge [sflag:s30], $0x6000  }
0x10b: {  	[sflag:s30] =	ssyncset.done $0x0  }
0x10c: {  	[sflag:s30] =	ssyncadd.s32 $0xFFFFA000  }
0x10d: {  	_ =	swait.ge [sflag:s24], $0x6000  }
0x10e: {  	[sflag:s24] =	ssyncset.done $0x0  }
0x10f: {  	s19 =	sadd.s32 s29, s22;
	[sflag:s24] =	ssyncadd.s32 $0xFFFFA000  }
0x110: {  	[hbm4b:s19+s3] =	stream.linear.scatter [tilespmem:s25], [sflag:$0x2], $0x1C00, $0x38;
	[tilespmem:$0x1C680] =	vst v63  }
0x111: {  	s28 =	sadd.s32 $0x400, s19  }
0x112: {  	[hbm4b:s28+s3] =	stream.linear.scatter [tilespmem:s1], [sflag:$0x2], $0x1C00, $0x38;
	[tilespmem:$0x1C680] =	vst v63  }
0x113: {  	s16 =	sadd.s32 $0x800, s19  }
0x114: {  	[hbm4b:s16+s3] =	stream.linear.scatter [tilespmem:s11], [sflag:$0x2], $0x1C00, $0x38;
	[tilespmem:$0x1C680] =	vst v63  }
0x115: {  	s19 =	sadd.s32 s12, s23  }
0x116: {  	[hbm4b:s19+s3] =	stream.linear.scatter [tilespmem:s0], [sflag:$0x2], $0x400, $0x38;
	[tilespmem:$0x1C680] =	vst v63  }
0x117: {  	s28 =	sadd.s32 $0x80, s19  }
0x118: {  	[hbm4b:s28+s3] =	stream.linear.scatter [tilespmem:s26], [sflag:$0x2], $0x400, $0x38;
	[tilespmem:$0x1C680] =	vst v63  }
0x119: {  	s16 =	sadd.s32 $0x100, s19  }
0x11a: {  	[hbm4b:s16+s3] =	stream.linear.scatter [tilespmem:s5], [sflag:$0x2], $0x400, $0x38;
	[tilespmem:$0x1C680] =	vst v63  }
0x11b: {  	v3 =	vld @!p0 [tilespmem:s10+$0x30];
	_ =	sdelay $0x4  }
0x11c: {  	v7 =	vshll.u32 @!p0 v3, $0x3  }
0x11d: {  	v3 =	vand.u32 @!p0 $0x7, v3;
	v7 =	vand.u32 @!p0 $0xFFFFFFC0, v7  }
0x11e: {  	v3 =	vor.u32 @!p0 v3, v7  }
0x11f: {  	v7 =	vperm.xlane @!p0 v3, v4;
	_ =	sdelay $0x1  }
0x120: {  	v7 =	vadd.s32 @!p0 v6, v7;
	_ =	sdelay $0x3  }
0x121: {  	s16 =	simm.s32 @!p0 $0x6680  }
0x122: {  	[tilespmem:s16], [sflag:$0x1] =	stream.indirect_vreg.gather @!p0 [hbm4b:s4+s14], $0x80, v7, vm1, $0xb8;
	[tilespmem:$0x1C680] =	vst v63  }
0x123: {  	v3 =	vperm.xlane @!p0 v3, v5;
	s16 =	simm.s32 @!p0 $0x6E80  }
0x124: {  	[tilespmem:s16], [sflag:$0x1] =	stream.indirect_vreg.gather @!p0 [hbm4b:s7+s14], $0x80, v7, vm1, $0xb8;
	[tilespmem:$0x1C680] =	vst v63  }
0x125: {  	v3 =	vadd.s32 @!p0 v6, v3;
	s16 =	simm.s32 @!p0 $0x7680  }
0x126: {  	[tilespmem:s16], [sflag:$0x1] =	stream.indirect_vreg.gather @!p0 [hbm4b:s8+s14], $0x80, v7, vm1, $0xb8;
	[tilespmem:$0x1C680] =	vst v63  }
0x127: {  	s16 =	simm.s32 @!p0 $0x7E80  }
0x128: {  	[tilespmem:s16], [sflag:$0x1] =	stream.indirect_vreg.gather @!p0 [hbm4b:s9+s14], $0x80, v7, vm1, $0xb8;
	[tilespmem:$0x1C680] =	vst v63  }
0x129: {  	s16 =	simm.s32 @!p0 $0x8680  }
0x12a: {  	[tilespmem:s16], [sflag:$0x1] =	stream.indirect_vreg.gather @!p0 [hbm4b:s4+s14], $0x80, v3, vm1, $0xb8;
	[tilespmem:$0x1C680] =	vst v63  }
0x12b: {  	s16 =	simm.s32 @!p0 $0x8E80  }
0x12c: {  	[tilespmem:s16], [sflag:$0x1] =	stream.indirect_vreg.gather @!p0 [hbm4b:s7+s14], $0x80, v3, vm1, $0xb8;
	[tilespmem:$0x1C680] =	vst v63  }
0x12d: {  	s16 =	simm.s32 @!p0 $0x9680  }
0x12e: {  	[tilespmem:s16], [sflag:$0x1] =	stream.indirect_vreg.gather @!p0 [hbm4b:s8+s14], $0x80, v3, vm1, $0xb8;
	[tilespmem:$0x1C680] =	vst v63  }
0x12f: {  	s16 =	simm.s32 @!p0 $0x9E80  }
0x130: {  	[tilespmem:s16], [sflag:$0x1] =	stream.indirect_vreg.gather @!p0 [hbm4b:s9+s14], $0x80, v3, vm1, $0xb8;
	[tilespmem:$0x1C680] =	vst v63  }
0x131: {  	v3 =	vld.msk @!p0 [tilespmem:s10+$0x40], $0xff;
	_ =	sdelay $0x4  }
0x132: {  	v5 =	vshll.u32 @!p0 v3, $0x3  }
0x133: {  	v3 =	vand.u32 @!p0 $0x7, v3;
	v5 =	vand.u32 @!p0 $0xFFFFFFC0, v5  }
0x134: {  	v3 =	vor.u32 @!p0 v3, v5  }
0x135: {  	v3 =	vperm.xlane @!p0 v3, v4;
	_ =	sdelay $0x1  }
0x136: {  	v3 =	vadd.s32 @!p0 v6, v3;
	_ =	sdelay $0x2  }
0x137: {  	s29 =	sadd.s32 @!p0 $0x3800, s29  }
0x138: {  	p1 =	sne.s32 @!p0 s29, $0x38000;
	s16 =	simm.s32 @!p0 $0xA680  }
0x139: {  	[tilespmem:s16], [sflag:$0x1] =	stream.indirect_vreg.gather @!p0 [hbm4b:s4+s14], $0x80, v3, vm1, $0xb8;
	[tilespmem:$0x1C680] =	vst v63  }
0x13a: {  	p1 =	por p0, !p1;
	s16 =	simm.s32 @!p0 $0xAE80  }
0x13b: {  	[tilespmem:s16], [sflag:$0x1] =	stream.indirect_vreg.gather @!p0 [hbm4b:s7+s14], $0x80, v3, vm1, $0xb8;
	[tilespmem:$0x1C680] =	vst v63  }
.Ltmp0:
0x13c: {  	s16 =	simm.s32 @!p0 $0xB680;
	(pc) =	sbr.rel @!p1 .LBB2_2-.Ltmp0, $4  }
0x13d: {  	[tilespmem:s16], [sflag:$0x1] =	stream.indirect_vreg.gather @!p0 [hbm4b:s8+s14], $0x80, v3, vm1, $0xb8;
	[tilespmem:$0x1C680] =	vst v63  }
0x13e: {  	s18 =	simm.s32 $0x2680;
	s16 =	simm.s32 @!p0 $0xBE80  }
0x13f: {  	[tilespmem:s16], [sflag:$0x1] =	stream.indirect_vreg.gather @!p0 [hbm4b:s9+s14], $0x80, v3, vm1, $0xb8;
	[tilespmem:$0x1C680] =	vst v63  }
0x140: {  	s12 =	sadd.s32 @!p0 $0x600, s12;
	s10 =	sadd.s32 @!p0 $0x60, s10;
	s16 =	simm.s32 $0x680  }
0x141: {  	_ =	swait.ge [sflag:s24], $0x6000  }
0x142: {  	[sflag:s24] =	ssyncset.done $0x0  }
0x143: {  	[sflag:s24] =	ssyncadd.s32 $0xFFFFA000  }
0x144: {  	_ =	swait.ge [sflag:s24], $0x6000  }
0x145: {  	[sflag:s24] =	ssyncset.done $0x0  }
0x146: {  	[sflag:s24] =	ssyncadd.s32 $0xFFFFA000  }
0x147: {  	v3 =	vld.msk [tilespmem:$0x600], $0xff;
	_ =	sdelay $0x4  }
0x148: {  	v4 =	vshll.u32 v3, $0x3  }
0x149: {  	v3 =	vand.u32 $0x7, v3;
	v4 =	vand.u32 $0xFFFFFFC0, v4  }
0x14a: {  	v3 =	vor.u32 v3, v4  }
0x14b: {  	v3 =	vperm.xlane v3, v0;
	_ =	sdelay $0x1  }
0x14c: {  	v3 =	vadd.s32 v1, v3;
	_ =	sdelay $0x3  }
0x14d: {  	s0 =	simm.s32 $0x18680  }
0x14e: {  	[tilespmem:s0], [sflag:$0x3] =	stream.indirect_vreg.gather [hbm4b:s4+s3], $0x80, v3, vm0, $0xb8;
	[tilespmem:$0x1C680] =	vst v63  }
0x14f: {  	s1 =	simm.s32 $0x18E80  }
0x150: {  	[tilespmem:s1], [sflag:$0x3] =	stream.indirect_vreg.gather [hbm4b:s7+s3], $0x80, v3, vm0, $0xb8;
	[tilespmem:$0x1C680] =	vst v63  }
0x151: {  	s2 =	simm.s32 $0x19680  }
0x152: {  	[tilespmem:s2], [sflag:$0x3] =	stream.indirect_vreg.gather [hbm4b:s8+s3], $0x80, v3, vm0, $0xb8;
	[tilespmem:$0x1C680] =	vst v63  }
0x153: {  	s5 =	simm.s32 $0x19E80;
	s6 =	simm.s32 $0x3  }
0x154: {  	[tilespmem:s5], [sflag:$0x3] =	stream.indirect_vreg.gather [hbm4b:s9+s3], $0x80, v3, vm0, $0xb8;
	[tilespmem:$0x1C680] =	vst v63  }
0x155: {  	_ =	swait.ge [sflag:s6], $0x2000  }
0x156: {  	[sflag:s6] =	ssyncset.done $0x0  }
0x157: {  	[sflag:s6] =	ssyncadd.s32 $0xFFFFE000  }
0x158: {  	v3 =	vld.msk [tilespmem:$0x608], $0xff;
	_ =	sdelay $0x4  }
0x159: {  	v57 =	vshll.u32 v3, $0x3  }
0x15a: {  	v3 =	vand.u32 $0x7, v3;
	v4 =	vand.u32 $0xFFFFFFC0, v57  }
0x15b: {  	v3 =	vor.u32 v3, v4  }
0x15c: {  	v3 =	vperm.xlane v3, v0;
	_ =	sdelay $0x1  }
0x15d: {  	v3 =	vadd.s32 v1, v3;
	_ =	sdelay $0x3  }
0x15e: {  	s11 =	simm.s32 $0x1A680  }
0x15f: {  	[tilespmem:s11], [sflag:$0x3] =	stream.indirect_vreg.gather [hbm4b:s4+s3], $0x80, v3, vm0, $0xb8;
	[tilespmem:$0x1C680] =	vst v63  }
0x160: {  	s12 =	simm.s32 $0x1AE80  }
0x161: {  	[tilespmem:s12], [sflag:$0x3] =	stream.indirect_vreg.gather [hbm4b:s7+s3], $0x80, v3, vm0, $0xb8;
	[tilespmem:$0x1C680] =	vst v63  }
0x162: {  	s13 =	simm.s32 $0x1B680  }
0x163: {  	[tilespmem:s13], [sflag:$0x3] =	stream.indirect_vreg.gather [hbm4b:s8+s3], $0x80, v3, vm0, $0xb8;
	[tilespmem:$0x1C680] =	vst v63  }
0x164: {  	s14 =	simm.s32 $0x1BE80  }
0x165: {  	[tilespmem:s14], [sflag:$0x3] =	stream.indirect_vreg.gather [hbm4b:s9+s3], $0x80, v3, vm0, $0xb8;
	[tilespmem:$0x1C680] =	vst v63  }
0x166: {  	s10 =	rddreg [dreg:$0x5]  }
0x167: {  	[hbm4b:s10+s3] =	stream.linear.scatter [tilespmem:s0], [sflag:$0x4], $0x2000, $0x38;
	[tilespmem:$0x1C680] =	vst v63  }
0x168: {  	_ =	swait.ge [sflag:s6], $0x2000  }
0x169: {  	[sflag:s6] =	ssyncset.done $0x0  }
0x16a: {  	s15 =	simm.s32 $0x4;
	[sflag:s6] =	ssyncadd.s32 $0xFFFFE000  }
0x16b: {  	_ =	swait.ge [sflag:s15], $0x2000  }
0x16c: {  	[sflag:s15] =	ssyncset.done $0x0  }
0x16d: {  	[sflag:s15] =	ssyncadd.s32 $0xFFFFE000  }
0x16e: {  	v3 =	vld.msk [tilespmem:$0x610], $0xff;
	_ =	sdelay $0x4  }
0x16f: {  	v58 =	vshll.u32 v3, $0x3  }
0x170: {  	v3 =	vand.u32 $0x7, v3;
	v4 =	vand.u32 $0xFFFFFFC0, v58  }
0x171: {  	v3 =	vor.u32 v3, v4  }
0x172: {  	v3 =	vperm.xlane v3, v0;
	_ =	sdelay $0x1  }
0x173: {  	v3 =	vadd.s32 v1, v3;
	_ =	sdelay $0x4  }
0x174: {  	[tilespmem:s0], [sflag:$0x3] =	stream.indirect_vreg.gather [hbm4b:s4+s3], $0x80, v3, vm0, $0xb8;
	[tilespmem:$0x1C680] =	vst v63  }
0x175: {  	_ = 	snop  }
0x176: {  	[tilespmem:s1], [sflag:$0x3] =	stream.indirect_vreg.gather [hbm4b:s7+s3], $0x80, v3, vm0, $0xb8;
	[tilespmem:$0x1C680] =	vst v63  }
0x177: {  	_ = 	snop  }
0x178: {  	[tilespmem:s2], [sflag:$0x3] =	stream.indirect_vreg.gather [hbm4b:s8+s3], $0x80, v3, vm0, $0xb8;
	[tilespmem:$0x1C680] =	vst v63  }
0x179: {  	_ = 	snop  }
0x17a: {  	[tilespmem:s5], [sflag:$0x3] =	stream.indirect_vreg.gather [hbm4b:s9+s3], $0x80, v3, vm0, $0xb8;
	[tilespmem:$0x1C680] =	vst v63  }
0x17b: {  	s29 =	rddreg [dreg:$0x6]  }
0x17c: {  	[hbm4b:s29+s3] =	stream.linear.scatter [tilespmem:s11], [sflag:$0x4], $0x2000, $0x38;
	[tilespmem:$0x1C680] =	vst v63  }
0x17d: {  	_ =	swait.ge [sflag:s6], $0x2000  }
0x17e: {  	[sflag:s6] =	ssyncset.done $0x0  }
0x17f: {  	[sflag:s6] =	ssyncadd.s32 $0xFFFFE000  }
0x180: {  	_ =	swait.ge [sflag:s15], $0x2000  }
0x181: {  	[sflag:s15] =	ssyncset.done $0x0  }
0x182: {  	[sflag:s15] =	ssyncadd.s32 $0xFFFFE000  }
0x183: {  	v3 =	vld.msk [tilespmem:$0x618], $0xff;
	_ =	sdelay $0x4  }
0x184: {  	v59 =	vshll.u32 v3, $0x3  }
0x185: {  	v3 =	vand.u32 $0x7, v3;
	v4 =	vand.u32 $0xFFFFFFC0, v59  }
0x186: {  	v3 =	vor.u32 v3, v4  }
0x187: {  	v3 =	vperm.xlane v3, v0;
	_ =	sdelay $0x1  }
0x188: {  	v3 =	vadd.s32 v1, v3;
	_ =	sdelay $0x4  }
0x189: {  	[tilespmem:s11], [sflag:$0x3] =	stream.indirect_vreg.gather [hbm4b:s4+s3], $0x80, v3, vm0, $0xb8;
	[tilespmem:$0x1C680] =	vst v63  }
0x18a: {  	_ = 	snop  }
0x18b: {  	[tilespmem:s12], [sflag:$0x3] =	stream.indirect_vreg.gather [hbm4b:s7+s3], $0x80, v3, vm0, $0xb8;
	[tilespmem:$0x1C680] =	vst v63  }
0x18c: {  	_ = 	snop  }
0x18d: {  	[tilespmem:s13], [sflag:$0x3] =	stream.indirect_vreg.gather [hbm4b:s8+s3], $0x80, v3, vm0, $0xb8;
	[tilespmem:$0x1C680] =	vst v63  }
0x18e: {  	_ = 	snop  }
0x18f: {  	[tilespmem:s14], [sflag:$0x3] =	stream.indirect_vreg.gather [hbm4b:s9+s3], $0x80, v3, vm0, $0xb8;
	[tilespmem:$0x1C680] =	vst v63  }
0x190: {  	s19 =	rddreg [dreg:$0x7]  }
0x191: {  	[hbm4b:s19+s3] =	stream.linear.scatter [tilespmem:s0], [sflag:$0x4], $0x2000, $0x38;
	[tilespmem:$0x1C680] =	vst v63  }
0x192: {  	_ =	swait.ge [sflag:s6], $0x2000  }
0x193: {  	[sflag:s6] =	ssyncset.done $0x0  }
0x194: {  	[sflag:s6] =	ssyncadd.s32 $0xFFFFE000  }
0x195: {  	_ =	swait.ge [sflag:s15], $0x2000  }
0x196: {  	[sflag:s15] =	ssyncset.done $0x0  }
0x197: {  	[sflag:s15] =	ssyncadd.s32 $0xFFFFE000  }
0x198: {  	v3 =	vld.msk [tilespmem:$0x620], $0xff;
	_ =	sdelay $0x4  }
0x199: {  	v60 =	vshll.u32 v3, $0x3  }
0x19a: {  	v3 =	vand.u32 $0x7, v3;
	v4 =	vand.u32 $0xFFFFFFC0, v60  }
0x19b: {  	v3 =	vor.u32 v3, v4  }
0x19c: {  	v3 =	vperm.xlane v3, v0;
	_ =	sdelay $0x1  }
0x19d: {  	v3 =	vadd.s32 v1, v3;
	_ =	sdelay $0x4  }
0x19e: {  	[tilespmem:s0], [sflag:$0x3] =	stream.indirect_vreg.gather [hbm4b:s4+s3], $0x80, v3, vm0, $0xb8;
	[tilespmem:$0x1C680] =	vst v63  }
0x19f: {  	_ = 	snop  }
0x1a0: {  	[tilespmem:s1], [sflag:$0x3] =	stream.indirect_vreg.gather [hbm4b:s7+s3], $0x80, v3, vm0, $0xb8;
	[tilespmem:$0x1C680] =	vst v63  }
0x1a1: {  	_ = 	snop  }
0x1a2: {  	[tilespmem:s2], [sflag:$0x3] =	stream.indirect_vreg.gather [hbm4b:s8+s3], $0x80, v3, vm0, $0xb8;
	[tilespmem:$0x1C680] =	vst v63  }
0x1a3: {  	_ = 	snop  }
0x1a4: {  	[tilespmem:s5], [sflag:$0x3] =	stream.indirect_vreg.gather [hbm4b:s9+s3], $0x80, v3, vm0, $0xb8;
	[tilespmem:$0x1C680] =	vst v63  }
0x1a5: {  	s20 =	rddreg [dreg:$0x8]  }
0x1a6: {  	[hbm4b:s20+s3] =	stream.linear.scatter [tilespmem:s11], [sflag:$0x4], $0x2000, $0x38;
	[tilespmem:$0x1C680] =	vst v63  }
0x1a7: {  	_ =	swait.ge [sflag:s6], $0x2000  }
0x1a8: {  	[sflag:s6] =	ssyncset.done $0x0  }
0x1a9: {  	[sflag:s6] =	ssyncadd.s32 $0xFFFFE000  }
0x1aa: {  	_ =	swait.ge [sflag:s15], $0x2000  }
0x1ab: {  	[sflag:s15] =	ssyncset.done $0x0  }
0x1ac: {  	[sflag:s15] =	ssyncadd.s32 $0xFFFFE000  }
0x1ad: {  	v3 =	vld.msk [tilespmem:$0x628], $0xff;
	_ =	sdelay $0x4  }
0x1ae: {  	v61 =	vshll.u32 v3, $0x3  }
0x1af: {  	v3 =	vand.u32 $0x7, v3;
	v4 =	vand.u32 $0xFFFFFFC0, v61  }
0x1b0: {  	v3 =	vor.u32 v3, v4  }
0x1b1: {  	v3 =	vperm.xlane v3, v0;
	_ =	sdelay $0x1  }
0x1b2: {  	v3 =	vadd.s32 v1, v3;
	_ =	sdelay $0x4  }
0x1b3: {  	[tilespmem:s11], [sflag:$0x3] =	stream.indirect_vreg.gather [hbm4b:s4+s3], $0x80, v3, vm0, $0xb8;
	[tilespmem:$0x1C680] =	vst v63  }
0x1b4: {  	_ = 	snop  }
0x1b5: {  	[tilespmem:s12], [sflag:$0x3] =	stream.indirect_vreg.gather [hbm4b:s7+s3], $0x80, v3, vm0, $0xb8;
	[tilespmem:$0x1C680] =	vst v63  }
0x1b6: {  	_ = 	snop  }
0x1b7: {  	[tilespmem:s13], [sflag:$0x3] =	stream.indirect_vreg.gather [hbm4b:s8+s3], $0x80, v3, vm0, $0xb8;
	[tilespmem:$0x1C680] =	vst v63  }
0x1b8: {  	_ = 	snop  }
0x1b9: {  	[tilespmem:s14], [sflag:$0x3] =	stream.indirect_vreg.gather [hbm4b:s9+s3], $0x80, v3, vm0, $0xb8;
	[tilespmem:$0x1C680] =	vst v63  }
0x1ba: {  	s21 =	rddreg [dreg:$0x9]  }
0x1bb: {  	[hbm4b:s21+s3] =	stream.linear.scatter [tilespmem:s0], [sflag:$0x4], $0x2000, $0x38;
	[tilespmem:$0x1C680] =	vst v63  }
0x1bc: {  	_ =	swait.ge [sflag:s6], $0x2000  }
0x1bd: {  	[sflag:s6] =	ssyncset.done $0x0  }
0x1be: {  	[sflag:s6] =	ssyncadd.s32 $0xFFFFE000  }
0x1bf: {  	_ =	swait.ge [sflag:s15], $0x2000  }
0x1c0: {  	[sflag:s15] =	ssyncset.done $0x0  }
0x1c1: {  	[sflag:s15] =	ssyncadd.s32 $0xFFFFE000  }
0x1c2: {  	v3 =	vld.msk [tilespmem:$0x630], $0xff;
	_ =	sdelay $0x4  }
0x1c3: {  	v62 =	vshll.u32 v3, $0x3  }
0x1c4: {  	v3 =	vand.u32 $0x7, v3;
	v4 =	vand.u32 $0xFFFFFFC0, v62  }
0x1c5: {  	v3 =	vor.u32 v3, v4  }
0x1c6: {  	v3 =	vperm.xlane v3, v0;
	_ =	sdelay $0x1  }
0x1c7: {  	v3 =	vadd.s32 v1, v3;
	_ =	sdelay $0x4  }
0x1c8: {  	[tilespmem:s0], [sflag:$0x3] =	stream.indirect_vreg.gather [hbm4b:s4+s3], $0x80, v3, vm0, $0xb8;
	[tilespmem:$0x1C680] =	vst v63  }
0x1c9: {  	_ = 	snop  }
0x1ca: {  	[tilespmem:s1], [sflag:$0x3] =	stream.indirect_vreg.gather [hbm4b:s7+s3], $0x80, v3, vm0, $0xb8;
	[tilespmem:$0x1C680] =	vst v63  }
0x1cb: {  	_ = 	snop  }
0x1cc: {  	[tilespmem:s2], [sflag:$0x3] =	stream.indirect_vreg.gather [hbm4b:s8+s3], $0x80, v3, vm0, $0xb8;
	[tilespmem:$0x1C680] =	vst v63  }
0x1cd: {  	_ = 	snop  }
0x1ce: {  	[tilespmem:s5], [sflag:$0x3] =	stream.indirect_vreg.gather [hbm4b:s9+s3], $0x80, v3, vm0, $0xb8;
	[tilespmem:$0x1C680] =	vst v63  }
0x1cf: {  	s22 =	rddreg [dreg:$0xa]  }
0x1d0: {  	[hbm4b:s22+s3] =	stream.linear.scatter [tilespmem:s11], [sflag:$0x4], $0x2000, $0x38;
	[tilespmem:$0x1C680] =	vst v63  }
0x1d1: {  	_ =	swait.ge [sflag:s6], $0x2000  }
0x1d2: {  	[sflag:s6] =	ssyncset.done $0x0  }
0x1d3: {  	[sflag:s6] =	ssyncadd.s32 $0xFFFFE000  }
0x1d4: {  	_ =	swait.ge [sflag:s15], $0x2000  }
0x1d5: {  	[sflag:s15] =	ssyncset.done $0x0  }
0x1d6: {  	[sflag:s15] =	ssyncadd.s32 $0xFFFFE000  }
0x1d7: {  	v3 =	vld.msk [tilespmem:$0x638], $0xff;
	_ =	sdelay $0x4  }
0x1d8: {  	v63 =	vshll.u32 v3, $0x3  }
0x1d9: {  	v3 =	vand.u32 $0x7, v3;
	v4 =	vand.u32 $0xFFFFFFC0, v63  }
0x1da: {  	v3 =	vor.u32 v3, v4  }
0x1db: {  	v3 =	vperm.xlane v3, v0;
	_ =	sdelay $0x1  }
0x1dc: {  	v3 =	vadd.s32 v1, v3;
	_ =	sdelay $0x4  }
0x1dd: {  	[tilespmem:s11], [sflag:$0x3] =	stream.indirect_vreg.gather [hbm4b:s4+s3], $0x80, v3, vm0, $0xb8;
	[tilespmem:$0x1C680] =	vst v63  }
0x1de: {  	_ = 	snop  }
0x1df: {  	[tilespmem:s12], [sflag:$0x3] =	stream.indirect_vreg.gather [hbm4b:s7+s3], $0x80, v3, vm0, $0xb8;
	[tilespmem:$0x1C680] =	vst v63  }
0x1e0: {  	_ = 	snop  }
0x1e1: {  	[tilespmem:s13], [sflag:$0x3] =	stream.indirect_vreg.gather [hbm4b:s8+s3], $0x80, v3, vm0, $0xb8;
	[tilespmem:$0x1C680] =	vst v63  }
0x1e2: {  	_ = 	snop  }
0x1e3: {  	[tilespmem:s14], [sflag:$0x3] =	stream.indirect_vreg.gather [hbm4b:s9+s3], $0x80, v3, vm0, $0xb8;
	[tilespmem:$0x1C680] =	vst v63  }
0x1e4: {  	s23 =	rddreg [dreg:$0xb]  }
0x1e5: {  	[hbm4b:s23+s3] =	stream.linear.scatter [tilespmem:s0], [sflag:$0x4], $0x2000, $0x38;
	[tilespmem:$0x1C680] =	vst v63  }
0x1e6: {  	_ =	swait.ge [sflag:s6], $0x2000  }
0x1e7: {  	[sflag:s6] =	ssyncset.done $0x0  }
0x1e8: {  	[sflag:s6] =	ssyncadd.s32 $0xFFFFE000  }
0x1e9: {  	_ =	swait.ge [sflag:s15], $0x2000  }
0x1ea: {  	[sflag:s15] =	ssyncset.done $0x0  }
0x1eb: {  	s25 =	rddreg [dreg:$0xc];
	[sflag:s15] =	ssyncadd.s32 $0xFFFFE000  }
0x1ec: {  	[hbm4b:s25+s3] =	stream.linear.scatter [tilespmem:s11], [sflag:$0x4], $0x2000, $0x38;
	[tilespmem:$0x1C680] =	vst v63  }
0x1ed: {  	_ =	swait.ge [sflag:s15], $0x2000  }
0x1ee: {  	s26 =	rddreg [dreg:$0x13]  }
0x1ef: {  	s29 =	rddreg [dreg:$0xd];
	s1 =	sadd.s32 $0x1, s26  }
0x1f0: {  	p0 =	sne.s32 s1, s29  }
.Ltmp1:
0x1f1: {  	_ = 	snop;
	(pc) =	sbr.rel @p0 .LBB2_1-.Ltmp1, $3  }
0x1f2: {  	_ =	sdelay $0x1  }
0x1f3: {  	s28 =	simm.s32 $0x6680;
	s0 =	simm.s32 $0xA680;
	[sflag:s15] =	ssyncset.done $0x0  }
0x1f4: {  	s25 =	simm.s32 $0x8680;
	[sflag:s15] =	ssyncadd.s32 $0xFFFFE000;
	s26 =	simm.s32 $0x4680  }
0x1f5: {  	_ =	sfence.sel $0x180000  }
0x1f6: {  	[bflag:$0x0] =	sbarrier.arrive $0xFFFF  }
0x1f7: {  	_ =	strace $0x90000047  }
0x1f8: {  	s0 =	stileid.u32;
	[bflag:$0x2] =	sbarrier.arrive $0xFFFF  }
0x1f9: {  	p0 =	sne.s32 s0, $0x0;
	s0 =	rddreg [dreg:$0x2]  }
0x1fa: {  	s0 =	sadd.s32 @!p0 $0x100000, s0  }
0x1fb: {  	[sflag:s0] =	ssyncadd.tile.s32 @!p0 $0x1;
	_ =	shalt  }
.Lfunc_end2:
_tile_overlayer_lowered:
.L_overlay_start_2:
0x1fc: {  	(tag) =	ssettag $0x2  }
0x1fd: {  	s0 =	rddreg [dreg:$0x0];
	s2 =	stileid.u32  }
0x1fe: {  	s1 =	rddreg [dreg:$0x1];
	p0 =	sne.s32 s2, $0x0  }
0x1ff: {  	s3 =	rddreg [dreg:$0x2];
	[bflag:$0x3] =	sbarrier.arrive $0xFFFF;
	s2 =	simm.s32 @!p0 $0x1C05  }
0x200: {  	[timem:s3], [sflag:s2] =	dma.local @!p0 [hbm:s0], s1  }
0x201: {  	s0 =	simm.s32 @!p0 $0x5  }
0x202: {  	_ =	swait.ge @!p0 [sflag:s0], s1  }
0x203: {  	s1 =	ssub.s32 @!p0 $0x0, s1;
	[sflag:s0] =	ssyncset.done @!p0 $0x0  }
0x204: {  	[sflag:s0] =	ssyncadd.s32 @!p0 s1  }
0x205: {  	[bflag:$0x3] =	sbarrier.arrive $0xFFFF  }
0x206: {  	_ =	shalt  }

// kernel: sparse-core-data-format-call.cloned.1.call-start
scs
called_computation_lowered:
.L_overlay_start_0:
0x0: {  	s2 =	sld [smem:$0x3FD9]  }
0x1: {  	s3 =	sld [smem:$0x3FFE];
	_ =	sdelay $0x1  }
0x2: {  	s1 =	srdreg.scid  }
0x3: {  	s0 =	sand.u32 $0x1, s1  }
0x4: {  	s18 =	sshll.u32 s0, $0xA;
	s2 =	sadd.s32 s3, s2  }
0x5: {  	s2 =	sadd.s32 s2, s18  }
0x6: {  	[smem:$0x3FC6] =	sst s2  }
0x7: {  	_ = 	snop  }
0x8: {  	s2 =	sld [smem:$0x3FD0];
	(tm) =	ssettm $0x1  }
0x9: {  	s19 =	sld [smem:$0x3FFB];
	_ =	sdelay $0x3  }
0xa: {  	_ =	strace s19  }
0xb: {  	s3 =	sld [smem:$0x3FFC];
	_ =	sdelay $0x3  }
0xc: {  	_ =	strace s3  }
0xd: {  	s3 =	sld [smem:$0x3FFD];
	_ =	sdelay $0x3  }
0xe: {  	_ =	strace s3  }
0xf: {  	_ =	strace $0x8FFFFFFF  }
0x10: {  	s20 =	sld [smem:$0x3FDB];
	_ =	sdelay $0x1  }
0x11: {  	s4 =	simm.s32 $_scs_section_size  }
0x12: {  	s5 =	simm.s32 $_size__tile_overlayer_lowered;
	s6 =	simm.s32 $_tile_overlayer_lowered  }
0x13: {  	s23 =	simm.s32 $0x1BFF;
	s22 =	sshll.u32 s6, $0x1;
	s3 =	sadd.s32 s4, s20  }
0x14: {  	s7 =	simm.s32 $0x0;
	s21 =	sshll.u32 s5, $0x1;
	s5 =	sadd.s32 s22, s3  }
0x15: {  	[timem:s7], [sflag:s23] =	dma.local [hbm:s5], s21  }
0x16: {  	_ =	swait.ge [sflag:s23], s21  }
0x17: {  	s4 =	ssub.s32 $0x0, s21;
	[sflag:s23] =	ssyncset.done $0x0  }
0x18: {  	[sflag:s23] =	ssyncadd.s32 s4;
	_ =	sdelay $0x1  }
0x19: {  	s24 =	simm.s32 $0x1B8B  }
0x1a: {  	_ =	swait.ge [sflag:s24], $0x1  }
0x1b: {  	[sflag:s24] =	ssyncset.done $0x0  }
0x1c: {  	s26 =	simm.s32 $0x1B8E;
	s25 =	sld [smem:$0x3FFE];
	[sflag:s24] =	ssyncadd.s32 $0xFFFFFFFF  }
0x1d: {  	s27 =	simm.s32 $execute0_lowered;
	[smem:$0x3FD2] =	sst s26  }
0x1e: {  	s5 =	sshll.u32 s27, $0x1;
	_ =	strace $0x80000049;
	[dreg:$0x1] =	wrdreg $0xFFFFFFFF  }
0x1f: {  	s28 =	simm.s32 $_size_execute0_lowered;
	s3 =	sadd.s32 s3, s5;
	[dreg:$0x0] =	wrdreg $0x0  }
0x20: {  	s5 =	sshll.u32 s28, $0x1;
	[dreg:$0x2] =	wrdreg s3  }
0x21: {  	[dreg:$0x3] =	wrdreg s5  }
0x22: {  	[dreg:$0x4] =	wrdreg $0xC0  }
0x23: {  	_ =	task [dreg:s7], $0x5FFFF  }
0x24: {  	[dreg:$0x1] =	wrdreg $0xFFFFFFFF  }
0x25: {  	[dreg:$0x0] =	wrdreg $0x60  }
0x26: {  	[dreg:$0x2] =	wrdreg s25  }
0x27: {  	[dreg:$0x3] =	wrdreg s2  }
0x28: {  	[dreg:$0x4] =	wrdreg $0x9  }
0x29: {  	_ =	task.clear_ibuf [dreg:s7], $0x5FFFF;
	_ =	strace $0x90000049  }
0x2a: {  	s29 =	simm.s32 $0x9;
	_ =	strace $0x8000004B  }
0x2b: {  	_ =	swait.ge [sflag:s29], $0x1  }
0x2c: {  	[sflag:s29] =	ssyncadd.s32 $0xFFFFFFFF  }
0x2d: {  	_ =	strace $0x9000004B  }
0x2e: {  	_ =	sfence  }
0x2f: {  	s30 =	sld [smem:$0x0];
	_ =	sdelay $0x2  }
0x30: {  	s31 =	sshll.u32 s1, $0xD;
	s1 =	sshrl.u32 s1, $0x2  }
0x31: {  	s3 =	sand.u32 $0x4000, s31;
	s1 =	sadd.s32 s1, s30  }
0x32: {  	s0 =	sor.u32 s3, s0;
	s1 =	sshll.u32 s1, $0x11  }
0x33: {  	s0 =	sor.u32 s1, s0  }
0x34: {  	s0 =	sadd.s32 $0x8F2B, s0  }
0x35: {  	[sflag:s0] =	ssyncadd.remote.s32 $0x1  }
0x36: {  	_ =	sfence.sel $0xFFFF  }
0x37: {  	[dreg:$0x0] =	wrdreg $0xFFFFFFFF;
	(pc) =	sbr.abs _section_cstart, $3  }
0x38: {  	[dreg:$0x1] =	wrdreg $0xFFFFFFFF  }
0x39: {  	_ =	task.clear_ibuf [dreg:s7], $0x2FFFF;
	_ =	strace $0x9FFFFFFF  }
0x3a: {  	(tm) =	ssettm $0x7FFFFFFF  }
0x3b: {  	_ =	shalt  }
tec
execute0_lowered:
.L_overlay_start_1:
0x0: {  	(tag) =	ssettag $0x1  }
0x1: {  	s4 =	rddreg [dreg:$0x0]  }
0x2: {  	s0 =	stileid.u32;
	s2 =	rddreg [dreg:$0x1]  }
0x3: {  	s7 =	srdreg.scid;
	s31 =	simm.s32 $0x2;
	s17 =	simm.s32 $0x0  }
0x4: {  	s9 =	simm.s32 $0x2000;
	s19 =	simm.s32 $0x0;
	s18 =	simm.s32 $0x0  }
0x5: {  	s10 =	simm.s32 $0x0;
	s11 =	simm.s32 $0x0;
	s1 =	sshll.u32 s0, $0x7  }
0x6: {  	s12 =	simm.s32 $0x0;
	s14 =	simm.s32 $0x0;
	s3 =	sand.u32 $0x380, s1  }
0x7: {  	s16 =	simm.s32 $0x0;
	s4 =	sadd.s32 $0x61A00, s4;
	s5 =	ssub.s32 $0x400, s3  }
0x8: {  	s8 =	sshll.u32 s0, $0x4;
	s7 =	sshll.u32 s7, $0x8;
	s6 =	sand.u32 $0x380, s5  }
0x9: {  	s1 =	rddreg [dreg:$0x2];
	p0 =	sne.s32 s6, $0x0;
	s6 =	simm.s32 $0x1  }
.Ltmp0:
0xa: {  	s5 =	sshrl.u32 s5, $0xA;
	s6 =	simm.s32 @!p0 $0x0;
	(pc) =	sbr.rel .LBB1_1-.Ltmp0, $4  }
0xb: {  	_ =	strace $0x8000004A;
	s7 =	sor.u32 s8, s7;
	s6 =	sadd.s32 s6, s5  }
0xc: {  	s7 =	sand.u32 $0x180, s7;
	s5 =	simm.s32 $0x1;
	s6 =	smul.u32 $0x64, s6  }
0xd: {  	s15 =	smov.u32 s3;
	s13 =	smov.u32 s7;
	[sflag:s5] =	ssyncpa.u1 $0x0  }
0xe: {  	p0 =	por $0x0, $0x0;
	[sflag:s31] =	ssyncpa.u1 $0x0;
	s8 =	sor.u32 $0x1, s6  }
.LBB1_4:
0xf: {  	s25 =	sshll.u32 s10, $0xA;
	s24 =	sshra.s32 s24, $0x2;
	s26 =	sshll.u32 s12, $0x3  }
0x10: {  	p1 =	sgt.s32 s11, $0x31;
	s27 =	smov.u32 s11;
	s28 =	sshra.s32 s11, $0x1F  }
0x11: {  	p2 =	sgt.s32 s12, $0x380;
	s31 =	sshra.s32 s12, $0x1F;
	s25 =	sand.u32 $0xFFFFE000, s25  }
0x12: {  	s26 =	sand.u32 $0xFFFFFC00, s26;
	s27 =	simm.s32 @!p1 $0x31;
	s28 =	sand.u32 s28, s11  }
0x13: {  	[tilespmem:s22+$0x2040 ss:$0x81] =	vst.msk $0xffff, v4;
	s23 =	sadd.s32 s24, s23;
	s29 =	sadd.s32 s26, s25;
	s25 =	ssub.s32 s27, s28  }
0x14: {  	[tilespmem:s22+$0x2850 ss:$0x81] =	vst.msk $0xffff, v3;
	s27 =	smov.u32 s12;
	s28 =	smov.u32 s10;
	s26 =	sand.u32 s31, s12  }
0x15: {  	[tilespmem:s22+$0x3060 ss:$0x81] =	vst.msk $0xffff, v2;
	s24 =	sshrl.u32 s29, $0xA;
	s30 =	sadd.s32 $0xFFFFFFCF, s25;
	s27 =	simm.s32 @!p2 $0x380  }
0x16: {  	v5 =	vld [tilespmem:s21+$0xFFFFFFD0];
	[tilespmem:s22+$0x0 ss:$0x81] =	vst.msk $0xffff, v1;
	p2 =	sgt.s32 s10, $0x368;
	s29 =	sshra.s32 s10, $0x1F;
	s22 =	ssub.s32 $0x32, s25  }
0x17: {  	v58 =	vld [tilespmem:s21+$0xFFFFFFE0];
	p1 =	sgt.s32 s30, $0x0;
	s28 =	simm.s32 @!p2 $0x368;
	s29 =	sand.u32 s29, s10  }
0x18: {  	v59 =	vld [tilespmem:s21+$0xFFFFFFF0];
	s26 =	ssub.s32 s27, s26;
	s27 =	smulhi.u32 $0x418938, s24;
	s28 =	ssub.s32 s28, s29  }
0x19: {  	v60 =	vld [tilespmem:s21+$0x0];
	s30 =	sadd.s32 $0xFFFFFC80, s26;
	s25 =	ssub.s32 $0x400, s26;
	s22 =	simm.s32 @p1 $0x0  }
0x1a: {  	v61 =	vld [tilespmem:s21+$0x10];
	[tilespmem:s23+$0x3870 ss:$0x81] =	vst.msk $0xffff, v0;
	s29 =	sand.u32 $0x78, s12;
	p2 =	sgt.s32 s30, $0x7F;
	s31 =	sadd.s32 $0xFFFFFC98, s28  }
0x1b: {  	v62 =	vld [tilespmem:s21+$0x20];
	[tilespmem:s23+$0x810 ss:$0x81] =	vst.msk $0xffff, v5;
	s27 =	smul.u32 $0x3E8, s27;
	s30 =	sshll.u32 s10, $0x7;
	s28 =	ssub.s32 $0x3E8, s28  }
0x1c: {  	v63 =	vld [tilespmem:s21+$0xFFFFFFC0];
	[tilespmem:s23+$0x1020 ss:$0x81] =	vst.msk $0xffff, v58;
	s25 =	simm.s32 @p2 $0x0;
	p1 =	sgt.s32 s31, $0x7F;
	s31 =	smul.u32 $0x1F400, s11  }
0x1d: {  	[tilespmem:s23+$0x1830 ss:$0x81] =	vst.msk $0xffff, v59;
	s21 =	sand.u32 $0x380, s30;
	s22 =	smul.u32 s25, s22;
	s28 =	simm.s32 @p1 $0x0  }
0x1e: {  	[tilespmem:s23+$0x2040 ss:$0x81] =	vst.msk $0xffff, v60;
	s21 =	sor.u32 s29, s21;
	s24 =	ssub.s32 s24, s27;
	s29 =	sand.u32 $0x7, s12  }
0x1f: {  	[tilespmem:s23+$0x2850 ss:$0x81] =	vst.msk $0xffff, v61;
	s21 =	sshrl.u32 s21, $0x3;
	s25 =	sadd.s32 s2, s31;
	s22 =	smul.u32 s28, s22  }
0x20: {  	[tilespmem:s23+$0x3060 ss:$0x81] =	vst.msk $0xffff, v62;
	s24 =	sshll.u32 s24, $0x7;
	s30 =	sshll.u32 s29, $0x12;
	s21 =	sadd.s32 s21, s25  }
0x21: {  	[tilespmem:s23+$0x0 ss:$0x81] =	vst.msk $0xffff, v63;
	s31 =	sor.u32 $0x400, s30;
	s21 =	sadd.s32 s24, s21;
	s22 =	sand.u32 $0x3FFFFFFF, s22  }
0x22: {  	[hbm4b:s21+s31] =	stream.strided.scatter [tilespmem:s20], [sflag:$0x2], s22, s9, s31, $0x20;
	[tilespmem:$0x10100] =	vst v63  }
.LBB1_5:
0x23: {  	p1 =	slt.u32 s16, $0x2  }
0x24: {  	p2 =	sgt.s32 @!p1 s19, $0x31  }
0x25: {  	s20 =	smov.u32 s19;
	s21 =	sshra.s32 @!p1 s19, $0x1F;
	p2 =	por !p2, p1  }
0x26: {  	s19 =	sand.u32 @!p1 s21, s19;
	s20 =	simm.s32 @p2 $0x31  }
0x27: {  	p3 =	sgt.s32 @!p1 s17, $0x368;
	s19 =	ssub.s32 @!p1 s20, s19  }
0x28: {  	p4 =	sgt.s32 @!p1 s18, $0x380;
	s22 =	sshra.s32 @!p1 s18, $0x1F;
	s20 =	sadd.s32 @!p1 $0xFFFFFFCF, s19  }
0x29: {  	s21 =	smov.u32 s17;
	p2 =	sgt.s32 @!p1 s20, $0x0;
	s20 =	sshra.s32 @!p1 s17, $0x1F  }
0x2a: {  	p4 =	por !p4, p1;
	s17 =	sand.u32 @!p1 s20, s17;
	s20 =	smov.u32 s18  }
0x2b: {  	p3 =	por !p3, p1;
	s18 =	sand.u32 @!p1 s22, s18;
	s20 =	simm.s32 @p4 $0x380  }
0x2c: {  	s21 =	simm.s32 @p3 $0x368;
	s19 =	ssub.s32 @!p1 $0x32, s19;
	s18 =	ssub.s32 @!p1 s20, s18  }
0x2d: {  	p2 =	por !p2, p1;
	s17 =	ssub.s32 @!p1 s21, s17;
	s21 =	sadd.s32 @!p1 $0xFFFFFC80, s18  }
0x2e: {  	s19 =	simm.s32 @!p2 $0x0;
	p3 =	sgt.s32 @!p1 s21, $0x7F  }
0x2f: {  	s20 =	sadd.s32 @!p1 $0xFFFFFC98, s17;
	s18 =	ssub.s32 @!p1 $0x400, s18;
	p3 =	por !p3, p1  }
0x30: {  	p2 =	sgt.s32 @!p1 s20, $0x7F;
	s20 =	sadd.s32 $0x200, s13;
	s18 =	simm.s32 @!p3 $0x0  }
0x31: {  	p3 =	sgt.s32 s20, $0x3E7;
	s18 =	smul.u32 @!p1 s18, s19;
	s19 =	simm.s32 $0x1  }
0x32: {  	s17 =	ssub.s32 @!p1 $0x3E8, s17;
	p2 =	por !p2, p1;
	s19 =	simm.s32 @!p3 $0x0  }
0x33: {  	s22 =	smov.u32 s15;
	s17 =	simm.s32 @!p2 $0x0;
	s21 =	sadd.s32 s19, s14  }
0x34: {  	s17 =	smul.u32 @!p1 s17, s18;
	s18 =	sadd.s32 $0x400, s15;
	p2 =	sgt.s32 s21, $0x31  }
0x35: {  	p0 =	por !p0, !p0;
	s23 =	simm.s32 @!p1 $0x2;
	s22 =	smov.u32 @p2 s18  }
0x36: {  	s20 =	smov.u32 @p3 s7;
	s21 =	simm.s32 @p2 $0x0;
	p2 =	sgt.s32 s22, $0x3FF  }
0x37: {  	s19 =	smov.u32 s11;
	s22 =	smov.u32 @p2 s3;
	p2 =	sne.s32 s16, s8  }
.Ltmp1:
0x38: {  	s11 =	smov.u32 s14;
	s17 =	sand.u32 @!p1 $0x3FFFFFFF, s17;
	(pc) =	sbr.rel @!p2 .LBB1_6-.Ltmp1, $4  }
0x39: {  	s18 =	smov.u32 s12;
	s12 =	smov.u32 s15;
	_ =	swait.ge @!p1 [sflag:s23], s17  }
0x3a: {  	s24 =	ssub.s32 @!p1 $0x0, s17;
	s17 =	smov.u32 s10;
	s10 =	smov.u32 s13  }
0x3b: {  	s13 =	smov.u32 s20;
	s14 =	smov.u32 s21;
	[sflag:s23] =	ssyncset.done @!p1 $0x0  }
0x3c: {  	s16 =	sadd.s32 $0x1, s16;
	[sflag:s23] =	ssyncadd.s32 @!p1 s24;
	s15 =	smov.u32 s22  }
.LBB1_1:
0x3d: {  	p1 =	sge.u32 s16, s6  }
0x3e: {  	s20 =	sshll.u32 @!p1 s14, $0xA  }
0x3f: {  	s21 =	sshll.u32 @!p1 s13, $0x3;
	s20 =	sand.u32 @!p1 $0xFFFFE000, s20  }
0x40: {  	s20 =	sadd.s32 @!p1 s20, s21  }
0x41: {  	s20 =	sshrl.u32 @!p1 s20, $0xA  }
0x42: {  	s21 =	smulhi.u32 @!p1 $0x4924925, s20  }
0x43: {  	s22 =	sshll.u32 @!p1 s14, $0x7;
	s24 =	smul.u32 @!p1 $0x1C00, s15  }
0x44: {  	s23 =	sand.u32 @!p1 $0x78, s13;
	s22 =	sand.u32 @!p1 $0x380, s22;
	s21 =	smul.u32 @!p1 $0x38, s21  }
0x45: {  	s31 =	sadd.s32 $0xFFFFFFFF, s16;
	s22 =	sor.u32 @!p1 s23, s22;
	s23 =	sadd.s32 @!p1 s4, s24  }
0x46: {  	s22 =	sshrl.u32 @!p1 s22, $0x3;
	s20 =	ssub.s32 @!p1 s20, s21;
	s21 =	sxor.u32 @!p1 $0xFFFFFFFF, s16  }
0x47: {  	s22 =	sadd.s32 @!p1 s22, s23;
	s23 =	sand.u32 @!p1 $0x7, s13;
	s21 =	sshll.u32 @!p1 s21, $0xE  }
0x48: {  	s23 =	sshll.u32 @!p1 s23, $0x12;
	s20 =	sshll.u32 @!p1 s20, $0x7;
	s21 =	sand.u32 @!p1 $0x4000, s21  }
0x49: {  	s20 =	sadd.s32 @!p1 s20, s22;
	s22 =	sor.u32 @!p1 $0x80, s23;
	s23 =	simm.s32 @!p1 $0xE000  }
0x4a: {  	[tilespmem:s21], [sflag:$0x1] =	stream.strided.gather @!p1 [hbm4b:s20+s22], $0x4000, s23, s22, $0x38;
	[tilespmem:$0x10100] =	vst v63  }
0x4b: {  	p1 =	sge.u32 s31, s6  }
.Ltmp2:
0x4c: {  	_ = 	snop;
	(pc) =	sbr.rel @p1 .LBB1_5-.Ltmp2, $1  }
0x4d: {  	_ =	sdelay $0x3  }
0x4e: {  	s20 =	simm.s32 $0x1  }
0x4f: {  	_ =	swait.ge [sflag:s5], $0x4000;
	s20 =	simm.s32 @!p0 $0x0  }
0x50: {  	[sflag:s5] =	ssyncset.done $0x0;
	s21 =	sshll.u32 s20, $0xE  }
0x51: {  	[sflag:s5] =	ssyncadd.s32 $0xFFFFC000;
	s21 =	sor.u32 $0x40, s21  }
0x52: {  	s20 =	smul.u32 $0x10200, s20;
	v0 =	vld [tilespmem:s21+$0x30]  }
0x53: {  	v1 =	vld [tilespmem:s21+$0xFFFFFFD0]  }
0x54: {  	s20 =	sshrl.u32 s20, $0x2;
	v5 =	vld [tilespmem:s21+$0xFFFFFFE0]  }
0x55: {  	v6 =	vld [tilespmem:s21+$0xFFFFFFF0];
	s23 =	sor.u32 $0x8000, s20  }
0x56: {  	s31 =	sand.u32 $0x1, s16;
	v4 =	vld [tilespmem:s21+$0x0];
	s22 =	sadd.s32 $0x0, s23  }
0x57: {  	v3 =	vld [tilespmem:s21+$0x10];
	s20 =	smul.u32 $0x10200, s31;
	[tilespmem:s22+$0x3870 ss:$0x81] =	vst.msk $0xffff, v0  }
0x58: {  	v2 =	vld [tilespmem:s21+$0x20];
	[tilespmem:s22+$0x810 ss:$0x81] =	vst.msk $0xffff, v1  }
0x59: {  	s20 =	sshrl.u32 s20, $0x2;
	v1 =	vld [tilespmem:s21+$0xFFFFFFC0];
	[tilespmem:s22+$0x1020 ss:$0x81] =	vst.msk $0xffff, v5;
	s21 =	sadd.s32 $0x80, s21  }
0x5a: {  	s24 =	simm.s32 $0x4;
	s25 =	simm.s32 $0x8;
	s20 =	sor.u32 $0x8000, s20;
	[tilespmem:s22+$0x1830 ss:$0x81] =	vst.msk $0xffff, v6;
	v0 =	vld [tilespmem:s21+$0x30]  }
.LBB1_3:
0x5b: {  	p1 =	sne.s32 s25, $0x1FC;
	v5 =	vld [tilespmem:s21+$0xFFFFFFD0];
	[tilespmem:s22+$0x2040 ss:$0x81] =	vst.msk $0xffff, v4  }
0x5c: {  	v6 =	vld [tilespmem:s21+$0xFFFFFFE0];
	[tilespmem:s22+$0x2850 ss:$0x81] =	vst.msk $0xffff, v3  }
0x5d: {  	s26 =	sshra.s32 s24, $0x2;
	s24 =	smov.u32 s25;
	v7 =	vld [tilespmem:s21+$0xFFFFFFF0];
	[tilespmem:s22+$0x3060 ss:$0x81] =	vst.msk $0xffff, v2  }
.Ltmp3:
0x5e: {  	v4 =	vld [tilespmem:s21+$0x0];
	[tilespmem:s22+$0x0 ss:$0x81] =	vst.msk $0xffff, v1;
	s22 =	sadd.s32 s26, s23;
	(pc) =	sbr.rel @p1 .LBB1_3-.Ltmp3, $4  }
0x5f: {  	v3 =	vld [tilespmem:s21+$0x10];
	[tilespmem:s22+$0x3870 ss:$0x81] =	vst.msk $0xffff, v0  }
0x60: {  	[tilespmem:s22+$0x810 ss:$0x81] =	vst.msk $0xffff, v5;
	v2 =	vld [tilespmem:s21+$0x20]  }
0x61: {  	v1 =	vld [tilespmem:s21+$0xFFFFFFC0];
	[tilespmem:s22+$0x1020 ss:$0x81] =	vst.msk $0xffff, v6;
	s21 =	sadd.s32 $0x80, s21  }
0x62: {  	s25 =	sadd.s32 $0x4, s25;
	v0 =	vld [tilespmem:s21+$0x30];
	[tilespmem:s22+$0x1830 ss:$0x81] =	vst.msk $0xffff, v7  }
.Ltmp4:
0x63: {  	_ = 	snop;
	(pc) =	sbr.rel .LBB1_4-.Ltmp4, $1  }
0x64: {  	_ =	sdelay $0x3  }
.LBB1_6:
0x65: {  	_ =	sfence.sel $0x180000  }
0x66: {  	s2 =	simm.s32 $0x1;
	[bflag:$0x0] =	sbarrier.arrive $0xFFFF  }
0x67: {  	s31 =	simm.s32 $0x2;
	[sflag:s2] =	ssyncpa.u1 $0x1  }
0x68: {  	[sflag:s31] =	ssyncpa.u1 $0x1  }
0x69: {  	p0 =	sne.s32 s0, $0x0;
	_ =	strace $0x9000004A  }
0x6a: {  	s0 =	sadd.s32 @!p0 $0x100000, s1;
	[bflag:$0x2] =	sbarrier.arrive $0xFFFF  }
0x6b: {  	[sflag:s0] =	ssyncadd.tile.s32 @!p0 $0x1;
	_ =	shalt  }
.Lfunc_end1:
_tile_overlayer_lowered:
.L_overlay_start_2:
0x6c: {  	(tag) =	ssettag $0x2  }
0x6d: {  	s0 =	rddreg [dreg:$0x0];
	s2 =	stileid.u32  }
0x6e: {  	s1 =	rddreg [dreg:$0x1];
	p0 =	sne.s32 s2, $0x0  }
0x6f: {  	s3 =	rddreg [dreg:$0x2];
	[bflag:$0x3] =	sbarrier.arrive $0xFFFF;
	s2 =	simm.s32 @!p0 $0x1C01  }
0x70: {  	[timem:s3], [sflag:s2] =	dma.local @!p0 [hbm:s0], s1  }
0x71: {  	s0 =	simm.s32 @!p0 $0x1  }
0x72: {  	_ =	swait.ge @!p0 [sflag:s0], s1  }
0x73: {  	s1 =	ssub.s32 @!p0 $0x0, s1;
	[sflag:s0] =	ssyncset.done @!p0 $0x0  }
0x74: {  	[sflag:s0] =	ssyncadd.s32 @!p0 s1  }
0x75: {  	[bflag:$0x3] =	sbarrier.arrive $0xFFFF  }
0x76: {  	_ =	shalt  }

</sc_bundles>
